<compile_context>
chip_gen: v7x
topology: tpu7x:2x2x1
jax: 0.10.2.dev20260603
libtpu: 0.0.44.dev20260713+nightly
codegen_flags: <defaults>
</compile_context>

<pallas_src>
import functools

import jax
import jax.numpy as jnp
from jax import lax
from jax.experimental import pallas as pl
from jax.experimental.pallas import tpu as pltpu
from jax.experimental.pallas import tpu_sc as plsc

EMB = 64
SCALE = 8.0
NC = 2
NS = 16
L = 16
NW = NC * NS
CHUNK = 128
ET = EMB // 8


@functools.lru_cache(maxsize=None)
def _make(n_s):
    nb = 4 if n_s % 4 == 0 else (2 if n_s % 2 == 0 else 1)
    mesh = plsc.VectorSubcoreMesh(
        core_axis_name="c", subcore_axis_name="s",
        num_cores=NC, num_subcores=NS)

    def body(tok_hbm, table_hbm, out_hbm, tok_v, idx_v, *bufs):
        rows = bufs[:nb]
        fmaj = bufs[nb:2 * nb]
        gi = bufs[2 * nb:3 * nb]
        wo = bufs[3 * nb:]
        wid = lax.axis_index("s") * NC + lax.axis_index("c")
        pltpu.sync_copy(tok_hbm.at[pl.ds(wid * CHUNK, CHUNK)], tok_v)

        lane = lax.broadcasted_iota(jnp.int32, (L,), 0)
        row_idx = [lane + (j * L) for j in range(CHUNK // L)]

        @pl.loop(0, n_s)
        def _(s):
            col = jnp.full((L,), s, jnp.int32)
            for j in range(CHUNK // L):
                idx_v[s, pl.ds(j * L, L)] = plsc.load_gather(
                    tok_v, [row_idx[j], col])

        def fire_gather(s, b):
            pltpu.async_copy(table_hbm.at[idx_v.at[s]], rows[b], gi[b])

        def drain_gather(s, b):
            pltpu.make_async_copy(
                table_hbm.at[idx_v.at[s]], rows[b], gi[b]).wait()

        def src_out(b):
            return fmaj[b].at[:, :, pl.ds(0, CHUNK)]

        def fire_out(s, b):
            pltpu.async_copy(src_out(b), out_hbm.at[s, :, wid], wo[b])

        def drain_out(s, b):
            pltpu.make_async_copy(
                src_out(b), out_hbm.at[s, :, wid], wo[b]).wait()

        ehi = [(2 * j) + (lane >= 8).astype(jnp.int32)
               for j in range(EMB // L)]
        elo = [lane & 7 for _ in range(EMB // L)]

        def transpose(b):
            r, f = rows[b], fmaj[b]

            @pl.loop(0, CHUNK)
            def _(t):
                tv = jnp.full((L,), t, jnp.int32)
                for j in range(EMB // L):
                    v = r[t, pl.ds(j * L, L)]
                    plsc.store_scatter(f, [ehi[j], elo[j], tv], v * SCALE)

        for b in range(nb):
            fire_gather(b, b)

        @pl.loop(0, n_s - nb, step=nb)
        def _(s0):
            for b in range(nb):
                drain_gather(s0 + b, b)
                transpose(b)
                fire_out(s0 + b, b)
                fire_gather(s0 + nb + b, b)
            for b in range(nb):
                drain_out(s0 + b, b)

        for b in range(nb):
            drain_gather(n_s - nb + b, b)
            transpose(b)
            fire_out(n_s - nb + b, b)
        for b in range(nb):
            drain_out(n_s - nb + b, b)

    return pl.kernel(
        body,
        out_type=jax.ShapeDtypeStruct((n_s, ET, NW, 8, CHUNK), jnp.float32),
        mesh=mesh,
        compiler_params=pltpu.CompilerParams(
            use_tc_tiling_on_sc=False, needs_layout_passes=False),
        scratch_types=(
            [pltpu.VMEM((CHUNK, n_s), jnp.int32),
             pltpu.VMEM((n_s, CHUNK), jnp.int32)]
            + [pltpu.VMEM((CHUNK, EMB), jnp.float32) for _ in range(nb)]
            + [pltpu.VMEM((ET, 8, CHUNK + 1), jnp.float32) for _ in range(nb)]
            + [pltpu.SemaphoreType.DMA for _ in range(2 * nb)]
        ),
    )


def kernel(tokens, table):
    bt, n_s = tokens.shape
    out5 = _make(n_s)(tokens.astype(jnp.int32), table)
    return out5.transpose(2, 4, 0, 1, 3).reshape(bt, n_s, EMB)

# --- scband reference (transcript-rebuilt; emitter-appended) ---
"""Pipeline reference for scband-token-emedding-80436147519703 (READ-ONLY COPY).

The authoritative reference and input builder live on the scoring server;
editing this copy changes nothing except your own understanding.
"""

import jax, jax.numpy as jnp
import numpy as np
import math

VOCAB = 1000000
EMB = 64

def setup_inputs(seed: int = 0) -> dict:
    key = jax.random.key(seed)
    k_tok, k_tab = jax.random.split(key)
    tokens = jax.random.randint(k_tok, (4096, 200), 0, VOCAB, dtype=jnp.int64 if jax.config.jax_enable_x64 else jnp.int32)
    table = jax.random.normal(k_tab, (VOCAB, EMB), dtype=jnp.float32)
    return {"tokens": tokens, "table": table}

def reference(tokens, table):
    # nn.Embedding lookup followed by scaling by sqrt(emb_size)
    emb = jnp.take(table, tokens, axis=0)
    return emb * math.sqrt(EMB)

if __name__ == "__main__":
    import jax
    _d = setup_inputs()
    print(jax.jit(kernel)(*tuple(_d.values())))

</pallas_src>

<mosaic_0001>
#map = affine_map<(d0, d1) -> (0, 0)>
#map1 = affine_map<(d0, d1) -> (0, 0, 0, 0, 0)>
module attributes {stable_mosaic.version = 14 : i64} {
  func.func @body(%arg0: i32, %arg1: i32, %arg2: memref<4096x200xi32, #tpu.memory_space<hbm>>, %arg3: memref<1000000x64xf32, #tpu.memory_space<hbm>>, %arg4: memref<200x8x32x8x128xf32, #tpu.memory_space<hbm>>, %arg5: memref<128x200xi32, #tpu.memory_space<vmem>>, %arg6: memref<200x128xi32, #tpu.memory_space<vmem>>, %arg7: memref<128x64xf32, #tpu.memory_space<vmem>>, %arg8: memref<128x64xf32, #tpu.memory_space<vmem>>, %arg9: memref<128x64xf32, #tpu.memory_space<vmem>>, %arg10: memref<128x64xf32, #tpu.memory_space<vmem>>, %arg11: memref<8x8x129xf32, #tpu.memory_space<vmem>>, %arg12: memref<8x8x129xf32, #tpu.memory_space<vmem>>, %arg13: memref<8x8x129xf32, #tpu.memory_space<vmem>>, %arg14: memref<8x8x129xf32, #tpu.memory_space<vmem>>, %arg15: memref<!tpu.dma_semaphore, #tpu.memory_space<semaphore_mem>>, %arg16: memref<!tpu.dma_semaphore, #tpu.memory_space<semaphore_mem>>, %arg17: memref<!tpu.dma_semaphore, #tpu.memory_space<semaphore_mem>>, %arg18: memref<!tpu.dma_semaphore, #tpu.memory_space<semaphore_mem>>, %arg19: memref<!tpu.dma_semaphore, #tpu.memory_space<semaphore_mem>>, %arg20: memref<!tpu.dma_semaphore, #tpu.memory_space<semaphore_mem>>, %arg21: memref<!tpu.dma_semaphore, #tpu.memory_space<semaphore_mem>>, %arg22: memref<!tpu.dma_semaphore, #tpu.memory_space<semaphore_mem>>) attributes {dimension_semantics = [#tpu.dimension_semantics<core_parallel>, #tpu.dimension_semantics<subcore_parallel>], iteration_bounds = array<i64: 2, 16>, scalar_prefetch = 0 : i64, scratch_operands = 18 : i64, tpu.core_type = #tpu.core_type<sc_vector_subcore>, window_params = [{transform_indices = #map}, {transform_indices = #map}, {transform_indices = #map1}]} {
    %mul3A = arith.constant 2 : i32
    %mul3A_0 = arith.muli %arg1, %mul3A : i32
    %add3A = arith.addi %mul3A_0, %arg0 : i32
    %mul3A_1 = arith.constant 128 : i32
    %mul3A_2 = arith.muli %add3A, %mul3A_1 : i32
    "tpu.region"() ({
      %run_scoped3A = tpu.sem_alloc : memref<!tpu.dma_semaphore, #tpu.memory_space<semaphore_mem>>
      %dma_start3A_299 = arith.constant 0 : i32
      %dma_start3A_300 = tpu.memref_slice %arg2[%mul3A_2, %dma_start3A_299] : memref<4096x200xi32, #tpu.memory_space<hbm>> -> memref<128x200xi32, #tpu.memory_space<hbm>>
      %dma_start3A_301 = arith.constant 0 : i32
      %dma_start3A_302 = tpu.memref_slice %arg2[%mul3A_2, %dma_start3A_301] : memref<4096x200xi32, #tpu.memory_space<hbm>> -> memref<128x200xi32, #tpu.memory_space<hbm>>
      tpu.enqueue_dma source(%dma_start3A_302 : memref<128x200xi32, #tpu.memory_space<hbm>>) target(%arg5 : memref<128x200xi32, #tpu.memory_space<vmem>>) target_semaphore(%run_scoped3A : memref<!tpu.dma_semaphore, #tpu.memory_space<semaphore_mem>>)
      %dma_wait3A_303 = arith.constant 0 : i32
      %dma_wait3A_304 = tpu.memref_slice %arg2[%mul3A_2, %dma_wait3A_303] : memref<4096x200xi32, #tpu.memory_space<hbm>> -> memref<128x200xi32, #tpu.memory_space<hbm>>
      %dma_wait3A_305 = arith.constant 0 : i32
      %dma_wait3A_306 = tpu.memref_slice %arg2[%mul3A_2, %dma_wait3A_305] : memref<4096x200xi32, #tpu.memory_space<hbm>> -> memref<128x200xi32, #tpu.memory_space<hbm>>
      tpu.wait_dma2 semaphore(%run_scoped3A : memref<!tpu.dma_semaphore, #tpu.memory_space<semaphore_mem>>) src(%dma_wait3A_306 : memref<128x200xi32, #tpu.memory_space<hbm>>) dst(%arg5 : memref<128x200xi32, #tpu.memory_space<vmem>>)
      tpu.yield
    }) : () -> ()
    %iota3A = tpu.iota {dimensions = array<i32: 0>} : vector<16xi32>
    %add3A_3 = arith.constant 0 : i32
    %add3A_4 = vector.broadcast %add3A_3 : i32 to vector<16xi32>
    %add3A_5 = arith.addi %iota3A, %add3A_4 : vector<16xi32>
    %add3A_6 = arith.constant 16 : i32
    %add3A_7 = vector.broadcast %add3A_6 : i32 to vector<16xi32>
    %add3A_8 = arith.addi %iota3A, %add3A_7 : vector<16xi32>
    %add3A_9 = arith.constant 32 : i32
    %add3A_10 = vector.broadcast %add3A_9 : i32 to vector<16xi32>
    %add3A_11 = arith.addi %iota3A, %add3A_10 : vector<16xi32>
    %add3A_12 = arith.constant 48 : i32
    %add3A_13 = vector.broadcast %add3A_12 : i32 to vector<16xi32>
    %add3A_14 = arith.addi %iota3A, %add3A_13 : vector<16xi32>
    %add3A_15 = arith.constant 64 : i32
    %add3A_16 = vector.broadcast %add3A_15 : i32 to vector<16xi32>
    %add3A_17 = arith.addi %iota3A, %add3A_16 : vector<16xi32>
    %add3A_18 = arith.constant 80 : i32
    %add3A_19 = vector.broadcast %add3A_18 : i32 to vector<16xi32>
    %add3A_20 = arith.addi %iota3A, %add3A_19 : vector<16xi32>
    %add3A_21 = arith.constant 96 : i32
    %add3A_22 = vector.broadcast %add3A_21 : i32 to vector<16xi32>
    %add3A_23 = arith.addi %iota3A, %add3A_22 : vector<16xi32>
    %add3A_24 = arith.constant 112 : i32
    %add3A_25 = vector.broadcast %add3A_24 : i32 to vector<16xi32>
    %add3A_26 = arith.addi %iota3A, %add3A_25 : vector<16xi32>
    %scan3A = arith.constant 0 : i32
    %scan3A_27 = arith.constant 200 : i32
    %scan3A_28 = arith.addi %scan3A, %scan3A_27 : i32
    %scan3A_29 = arith.constant 1 : i32
    scf.for %scan3A_299 = %scan3A to %scan3A_28 step %scan3A_29  : i32 {
      %mul3A_300 = arith.constant 1 : i32
      %mul3A_301 = arith.muli %scan3A_299, %mul3A_300 : i32
      %add3A_302 = arith.constant 0 : i32
      %add3A_303 = arith.addi %add3A_302, %mul3A_301 : i32
      %broadcast_in_dim3A = vector.broadcast %add3A_303 : i32 to vector<16xi32>
      %gather3A = tpu.vector_load_idx %arg5[%add3A_5, %broadcast_in_dim3A] : memref<128x200xi32, #tpu.memory_space<vmem>>[vector<16xi32>, vector<16xi32>], vector<16xi32>,
      %swap3A = arith.index_cast %add3A_303 : i32 to index
      %swap3A_304 = arith.constant 0 : index
      %swap3A_305 = tpu.vector_load %arg6[%swap3A, %swap3A_304] {strides = array<i32>} : memref<200x128xi32, #tpu.memory_space<vmem>>, vector<16xi32>,
      tpu.vector_store %arg6[%swap3A, %swap3A_304], %gather3A {strides = array<i32>} : memref<200x128xi32, #tpu.memory_space<vmem>>, vector<16xi32>,
      %gather3A_306 = tpu.vector_load_idx %arg5[%add3A_8, %broadcast_in_dim3A] : memref<128x200xi32, #tpu.memory_space<vmem>>[vector<16xi32>, vector<16xi32>], vector<16xi32>,
      %swap3A_307 = arith.index_cast %add3A_303 : i32 to index
      %swap3A_308 = arith.constant 16 : index
      %swap3A_309 = tpu.vector_load %arg6[%swap3A_307, %swap3A_308] {strides = array<i32>} : memref<200x128xi32, #tpu.memory_space<vmem>>, vector<16xi32>,
      tpu.vector_store %arg6[%swap3A_307, %swap3A_308], %gather3A_306 {strides = array<i32>} : memref<200x128xi32, #tpu.memory_space<vmem>>, vector<16xi32>,
      %gather3A_310 = tpu.vector_load_idx %arg5[%add3A_11, %broadcast_in_dim3A] : memref<128x200xi32, #tpu.memory_space<vmem>>[vector<16xi32>, vector<16xi32>], vector<16xi32>,
      %swap3A_311 = arith.index_cast %add3A_303 : i32 to index
      %swap3A_312 = arith.constant 32 : index
      %swap3A_313 = tpu.vector_load %arg6[%swap3A_311, %swap3A_312] {strides = array<i32>} : memref<200x128xi32, #tpu.memory_space<vmem>>, vector<16xi32>,
      tpu.vector_store %arg6[%swap3A_311, %swap3A_312], %gather3A_310 {strides = array<i32>} : memref<200x128xi32, #tpu.memory_space<vmem>>, vector<16xi32>,
      %gather3A_314 = tpu.vector_load_idx %arg5[%add3A_14, %broadcast_in_dim3A] : memref<128x200xi32, #tpu.memory_space<vmem>>[vector<16xi32>, vector<16xi32>], vector<16xi32>,
      %swap3A_315 = arith.index_cast %add3A_303 : i32 to index
      %swap3A_316 = arith.constant 48 : index
      %swap3A_317 = tpu.vector_load %arg6[%swap3A_315, %swap3A_316] {strides = array<i32>} : memref<200x128xi32, #tpu.memory_space<vmem>>, vector<16xi32>,
      tpu.vector_store %arg6[%swap3A_315, %swap3A_316], %gather3A_314 {strides = array<i32>} : memref<200x128xi32, #tpu.memory_space<vmem>>, vector<16xi32>,
      %gather3A_318 = tpu.vector_load_idx %arg5[%add3A_17, %broadcast_in_dim3A] : memref<128x200xi32, #tpu.memory_space<vmem>>[vector<16xi32>, vector<16xi32>], vector<16xi32>,
      %swap3A_319 = arith.index_cast %add3A_303 : i32 to index
      %swap3A_320 = arith.constant 64 : index
      %swap3A_321 = tpu.vector_load %arg6[%swap3A_319, %swap3A_320] {strides = array<i32>} : memref<200x128xi32, #tpu.memory_space<vmem>>, vector<16xi32>,
      tpu.vector_store %arg6[%swap3A_319, %swap3A_320], %gather3A_318 {strides = array<i32>} : memref<200x128xi32, #tpu.memory_space<vmem>>, vector<16xi32>,
      %gather3A_322 = tpu.vector_load_idx %arg5[%add3A_20, %broadcast_in_dim3A] : memref<128x200xi32, #tpu.memory_space<vmem>>[vector<16xi32>, vector<16xi32>], vector<16xi32>,
      %swap3A_323 = arith.index_cast %add3A_303 : i32 to index
      %swap3A_324 = arith.constant 80 : index
      %swap3A_325 = tpu.vector_load %arg6[%swap3A_323, %swap3A_324] {strides = array<i32>} : memref<200x128xi32, #tpu.memory_space<vmem>>, vector<16xi32>,
      tpu.vector_store %arg6[%swap3A_323, %swap3A_324], %gather3A_322 {strides = array<i32>} : memref<200x128xi32, #tpu.memory_space<vmem>>, vector<16xi32>,
      %gather3A_326 = tpu.vector_load_idx %arg5[%add3A_23, %broadcast_in_dim3A] : memref<128x200xi32, #tpu.memory_space<vmem>>[vector<16xi32>, vector<16xi32>], vector<16xi32>,
      %swap3A_327 = arith.index_cast %add3A_303 : i32 to index
      %swap3A_328 = arith.constant 96 : index
      %swap3A_329 = tpu.vector_load %arg6[%swap3A_327, %swap3A_328] {strides = array<i32>} : memref<200x128xi32, #tpu.memory_space<vmem>>, vector<16xi32>,
      tpu.vector_store %arg6[%swap3A_327, %swap3A_328], %gather3A_326 {strides = array<i32>} : memref<200x128xi32, #tpu.memory_space<vmem>>, vector<16xi32>,
      %gather3A_330 = tpu.vector_load_idx %arg5[%add3A_26, %broadcast_in_dim3A] : memref<128x200xi32, #tpu.memory_space<vmem>>[vector<16xi32>, vector<16xi32>], vector<16xi32>,
      %swap3A_331 = arith.index_cast %add3A_303 : i32 to index
      %swap3A_332 = arith.constant 112 : index
      %swap3A_333 = tpu.vector_load %arg6[%swap3A_331, %swap3A_332] {strides = array<i32>} : memref<200x128xi32, #tpu.memory_space<vmem>>, vector<16xi32>,
      tpu.vector_store %arg6[%swap3A_331, %swap3A_332], %gather3A_330 {strides = array<i32>} : memref<200x128xi32, #tpu.memory_space<vmem>>, vector<16xi32>,
    }
    %scan3A_30 = arith.constant 200 : i32
    %ge3A = arith.constant 8 : i32
    %ge3A_31 = vector.broadcast %ge3A : i32 to vector<16xi32>
    %ge3A_32 = arith.cmpi sge, %iota3A, %ge3A_31 : vector<16xi32>
    %convert_element_type3A = arith.extui %ge3A_32 : vector<16xi1> to vector<16xi32>
    %add3A_33 = arith.constant 0 : i32
    %add3A_34 = vector.broadcast %add3A_33 : i32 to vector<16xi32>
    %add3A_35 = arith.addi %add3A_34, %convert_element_type3A : vector<16xi32>
    %ge3A_36 = arith.constant 8 : i32
    %ge3A_37 = vector.broadcast %ge3A_36 : i32 to vector<16xi32>
    %ge3A_38 = arith.cmpi sge, %iota3A, %ge3A_37 : vector<16xi32>
    %convert_element_type3A_39 = arith.extui %ge3A_38 : vector<16xi1> to vector<16xi32>
    %add3A_40 = arith.constant 2 : i32
    %add3A_41 = vector.broadcast %add3A_40 : i32 to vector<16xi32>
    %add3A_42 = arith.addi %add3A_41, %convert_element_type3A_39 : vector<16xi32>
    %ge3A_43 = arith.constant 8 : i32
    %ge3A_44 = vector.broadcast %ge3A_43 : i32 to vector<16xi32>
    %ge3A_45 = arith.cmpi sge, %iota3A, %ge3A_44 : vector<16xi32>
    %convert_element_type3A_46 = arith.extui %ge3A_45 : vector<16xi1> to vector<16xi32>
    %add3A_47 = arith.constant 4 : i32
    %add3A_48 = vector.broadcast %add3A_47 : i32 to vector<16xi32>
    %add3A_49 = arith.addi %add3A_48, %convert_element_type3A_46 : vector<16xi32>
    %ge3A_50 = arith.constant 8 : i32
    %ge3A_51 = vector.broadcast %ge3A_50 : i32 to vector<16xi32>
    %ge3A_52 = arith.cmpi sge, %iota3A, %ge3A_51 : vector<16xi32>
    %convert_element_type3A_53 = arith.extui %ge3A_52 : vector<16xi1> to vector<16xi32>
    %add3A_54 = arith.constant 6 : i32
    %add3A_55 = vector.broadcast %add3A_54 : i32 to vector<16xi32>
    %add3A_56 = arith.addi %add3A_55, %convert_element_type3A_53 : vector<16xi32>
    %and3A = arith.constant 7 : i32
    %and3A_57 = vector.broadcast %and3A : i32 to vector<16xi32>
    %and3A_58 = arith.andi %iota3A, %and3A_57 : vector<16xi32>
    %and3A_59 = arith.constant 7 : i32
    %and3A_60 = vector.broadcast %and3A_59 : i32 to vector<16xi32>
    %and3A_61 = arith.andi %iota3A, %and3A_60 : vector<16xi32>
    %and3A_62 = arith.constant 7 : i32
    %and3A_63 = vector.broadcast %and3A_62 : i32 to vector<16xi32>
    %and3A_64 = arith.andi %iota3A, %and3A_63 : vector<16xi32>
    %and3A_65 = arith.constant 7 : i32
    %and3A_66 = vector.broadcast %and3A_65 : i32 to vector<16xi32>
    %and3A_67 = arith.andi %iota3A, %and3A_66 : vector<16xi32>
    %dma_start3A = arith.constant 0 : i32
    %dma_start3A_68 = arith.constant 0 : i32
    %dma_start3A_69 = tpu.memref_slice %arg6[%dma_start3A, %dma_start3A_68] : memref<200x128xi32, #tpu.memory_space<vmem>> -> memref<1x128xi32, #tpu.memory_space<vmem>>
    %dma_start3A_70 = tpu.memref_squeeze %dma_start3A_69 : memref<1x128xi32, #tpu.memory_space<vmem>> -> memref<128xi32, #tpu.memory_space<vmem>>
    %dma_start3A_71 = arith.constant 0 : i32
    %dma_start3A_72 = arith.constant 0 : i32
    %dma_start3A_73 = tpu.memref_slice %arg3[%dma_start3A_71, %dma_start3A_72] : memref<1000000x64xf32, #tpu.memory_space<hbm>> -> memref<1000000x64xf32, #tpu.memory_space<hbm>>
    tpu.enqueue_indirect_dma source(%dma_start3A_73 : memref<1000000x64xf32, #tpu.memory_space<hbm>>) target(%arg7 : memref<128x64xf32, #tpu.memory_space<vmem>>) offsets(%dma_start3A_70 : memref<128xi32, #tpu.memory_space<vmem>>) semaphore(%arg15 : memref<!tpu.dma_semaphore, #tpu.memory_space<semaphore_mem>>)
    %dma_start3A_74 = arith.constant 1 : i32
    %dma_start3A_75 = arith.constant 0 : i32
    %dma_start3A_76 = tpu.memref_slice %arg6[%dma_start3A_74, %dma_start3A_75] : memref<200x128xi32, #tpu.memory_space<vmem>> -> memref<1x128xi32, #tpu.memory_space<vmem>>
    %dma_start3A_77 = tpu.memref_squeeze %dma_start3A_76 : memref<1x128xi32, #tpu.memory_space<vmem>> -> memref<128xi32, #tpu.memory_space<vmem>>
    %dma_start3A_78 = arith.constant 0 : i32
    %dma_start3A_79 = arith.constant 0 : i32
    %dma_start3A_80 = tpu.memref_slice %arg3[%dma_start3A_78, %dma_start3A_79] : memref<1000000x64xf32, #tpu.memory_space<hbm>> -> memref<1000000x64xf32, #tpu.memory_space<hbm>>
    tpu.enqueue_indirect_dma source(%dma_start3A_80 : memref<1000000x64xf32, #tpu.memory_space<hbm>>) target(%arg8 : memref<128x64xf32, #tpu.memory_space<vmem>>) offsets(%dma_start3A_77 : memref<128xi32, #tpu.memory_space<vmem>>) semaphore(%arg16 : memref<!tpu.dma_semaphore, #tpu.memory_space<semaphore_mem>>)
    %dma_start3A_81 = arith.constant 2 : i32
    %dma_start3A_82 = arith.constant 0 : i32
    %dma_start3A_83 = tpu.memref_slice %arg6[%dma_start3A_81, %dma_start3A_82] : memref<200x128xi32, #tpu.memory_space<vmem>> -> memref<1x128xi32, #tpu.memory_space<vmem>>
    %dma_start3A_84 = tpu.memref_squeeze %dma_start3A_83 : memref<1x128xi32, #tpu.memory_space<vmem>> -> memref<128xi32, #tpu.memory_space<vmem>>
    %dma_start3A_85 = arith.constant 0 : i32
    %dma_start3A_86 = arith.constant 0 : i32
    %dma_start3A_87 = tpu.memref_slice %arg3[%dma_start3A_85, %dma_start3A_86] : memref<1000000x64xf32, #tpu.memory_space<hbm>> -> memref<1000000x64xf32, #tpu.memory_space<hbm>>
    tpu.enqueue_indirect_dma source(%dma_start3A_87 : memref<1000000x64xf32, #tpu.memory_space<hbm>>) target(%arg9 : memref<128x64xf32, #tpu.memory_space<vmem>>) offsets(%dma_start3A_84 : memref<128xi32, #tpu.memory_space<vmem>>) semaphore(%arg17 : memref<!tpu.dma_semaphore, #tpu.memory_space<semaphore_mem>>)
    %dma_start3A_88 = arith.constant 3 : i32
    %dma_start3A_89 = arith.constant 0 : i32
    %dma_start3A_90 = tpu.memref_slice %arg6[%dma_start3A_88, %dma_start3A_89] : memref<200x128xi32, #tpu.memory_space<vmem>> -> memref<1x128xi32, #tpu.memory_space<vmem>>
    %dma_start3A_91 = tpu.memref_squeeze %dma_start3A_90 : memref<1x128xi32, #tpu.memory_space<vmem>> -> memref<128xi32, #tpu.memory_space<vmem>>
    %dma_start3A_92 = arith.constant 0 : i32
    %dma_start3A_93 = arith.constant 0 : i32
    %dma_start3A_94 = tpu.memref_slice %arg3[%dma_start3A_92, %dma_start3A_93] : memref<1000000x64xf32, #tpu.memory_space<hbm>> -> memref<1000000x64xf32, #tpu.memory_space<hbm>>
    tpu.enqueue_indirect_dma source(%dma_start3A_94 : memref<1000000x64xf32, #tpu.memory_space<hbm>>) target(%arg10 : memref<128x64xf32, #tpu.memory_space<vmem>>) offsets(%dma_start3A_91 : memref<128xi32, #tpu.memory_space<vmem>>) semaphore(%arg18 : memref<!tpu.dma_semaphore, #tpu.memory_space<semaphore_mem>>)
    %scan3A_95 = arith.constant 0 : i32
    %scan3A_96 = arith.constant 49 : i32
    %scan3A_97 = arith.addi %scan3A_95, %scan3A_96 : i32
    %scan3A_98 = arith.constant 1 : i32
    scf.for %scan3A_299 = %scan3A_95 to %scan3A_97 step %scan3A_98  : i32 {
      %mul3A_300 = arith.constant 4 : i32
      %mul3A_301 = arith.muli %scan3A_299, %mul3A_300 : i32
      %add3A_302 = arith.constant 0 : i32
      %add3A_303 = arith.addi %add3A_302, %mul3A_301 : i32
      %add3A_304 = arith.constant 0 : i32
      %add3A_305 = arith.addi %add3A_303, %add3A_304 : i32
      %dma_wait3A_306 = arith.constant 0 : i32
      %dma_wait3A_307 = tpu.memref_slice %arg6[%add3A_305, %dma_wait3A_306] : memref<200x128xi32, #tpu.memory_space<vmem>> -> memref<1x128xi32, #tpu.memory_space<vmem>>
      %dma_wait3A_308 = tpu.memref_squeeze %dma_wait3A_307 : memref<1x128xi32, #tpu.memory_space<vmem>> -> memref<128xi32, #tpu.memory_space<vmem>>
      %dma_wait3A_309 = arith.constant 0 : i32
      %dma_wait3A_310 = arith.constant 0 : i32
      %dma_wait3A_311 = tpu.memref_slice %arg3[%dma_wait3A_309, %dma_wait3A_310] : memref<1000000x64xf32, #tpu.memory_space<hbm>> -> memref<1000000x64xf32, #tpu.memory_space<hbm>>
      tpu.wait_indirect_dma semaphore(%arg15 : memref<!tpu.dma_semaphore, #tpu.memory_space<semaphore_mem>>) src(%dma_wait3A_311 : memref<1000000x64xf32, #tpu.memory_space<hbm>>) dst(%arg7 : memref<128x64xf32, #tpu.memory_space<vmem>>)
      %scan3A_312 = arith.constant 0 : i32
      %scan3A_313 = arith.constant 128 : i32
      %scan3A_314 = arith.addi %scan3A_312, %scan3A_313 : i32
      %scan3A_315 = arith.constant 1 : i32
      scf.for %scan3A_556 = %scan3A_312 to %scan3A_314 step %scan3A_315  : i32 {
        %mul3A_557 = arith.constant 1 : i32
        %mul3A_558 = arith.muli %scan3A_556, %mul3A_557 : i32
        %add3A_559 = arith.constant 0 : i32
        %add3A_560 = arith.addi %add3A_559, %mul3A_558 : i32
        %broadcast_in_dim3A = vector.broadcast %add3A_560 : i32 to vector<16xi32>
        %get3A = arith.index_cast %add3A_560 : i32 to index
        %get3A_561 = arith.constant 0 : index
        %get3A_562 = tpu.vector_load %arg7[%get3A, %get3A_561] {strides = array<i32>} : memref<128x64xf32, #tpu.memory_space<vmem>>, vector<16xf32>,
        %mul3A_563 = arith.constant 8.000000e+00 : f32
        %mul3A_564 = vector.broadcast %mul3A_563 : f32 to vector<16xf32>
        %mul3A_565 = arith.mulf %get3A_562, %mul3A_564 : vector<16xf32>
        tpu.vector_store_idx %arg11[%add3A_35, %and3A_58, %broadcast_in_dim3A], %mul3A_565 : memref<8x8x129xf32, #tpu.memory_space<vmem>>[vector<16xi32>, vector<16xi32>, vector<16xi32>], vector<16xf32>,
        %get3A_566 = arith.index_cast %add3A_560 : i32 to index
        %get3A_567 = arith.constant 16 : index
        %get3A_568 = tpu.vector_load %arg7[%get3A_566, %get3A_567] {strides = array<i32>} : memref<128x64xf32, #tpu.memory_space<vmem>>, vector<16xf32>,
        %mul3A_569 = arith.constant 8.000000e+00 : f32
        %mul3A_570 = vector.broadcast %mul3A_569 : f32 to vector<16xf32>
        %mul3A_571 = arith.mulf %get3A_568, %mul3A_570 : vector<16xf32>
        tpu.vector_store_idx %arg11[%add3A_42, %and3A_61, %broadcast_in_dim3A], %mul3A_571 : memref<8x8x129xf32, #tpu.memory_space<vmem>>[vector<16xi32>, vector<16xi32>, vector<16xi32>], vector<16xf32>,
        %get3A_572 = arith.index_cast %add3A_560 : i32 to index
        %get3A_573 = arith.constant 32 : index
        %get3A_574 = tpu.vector_load %arg7[%get3A_572, %get3A_573] {strides = array<i32>} : memref<128x64xf32, #tpu.memory_space<vmem>>, vector<16xf32>,
        %mul3A_575 = arith.constant 8.000000e+00 : f32
        %mul3A_576 = vector.broadcast %mul3A_575 : f32 to vector<16xf32>
        %mul3A_577 = arith.mulf %get3A_574, %mul3A_576 : vector<16xf32>
        tpu.vector_store_idx %arg11[%add3A_49, %and3A_64, %broadcast_in_dim3A], %mul3A_577 : memref<8x8x129xf32, #tpu.memory_space<vmem>>[vector<16xi32>, vector<16xi32>, vector<16xi32>], vector<16xf32>,
        %get3A_578 = arith.index_cast %add3A_560 : i32 to index
        %get3A_579 = arith.constant 48 : index
        %get3A_580 = tpu.vector_load %arg7[%get3A_578, %get3A_579] {strides = array<i32>} : memref<128x64xf32, #tpu.memory_space<vmem>>, vector<16xf32>,
        %mul3A_581 = arith.constant 8.000000e+00 : f32
        %mul3A_582 = vector.broadcast %mul3A_581 : f32 to vector<16xf32>
        %mul3A_583 = arith.mulf %get3A_580, %mul3A_582 : vector<16xf32>
        tpu.vector_store_idx %arg11[%add3A_56, %and3A_67, %broadcast_in_dim3A], %mul3A_583 : memref<8x8x129xf32, #tpu.memory_space<vmem>>[vector<16xi32>, vector<16xi32>, vector<16xi32>], vector<16xf32>,
      }
      %scan3A_316 = arith.constant 128 : i32
      %add3A_317 = arith.constant 0 : i32
      %add3A_318 = arith.addi %add3A_303, %add3A_317 : i32
      %dma_start3A_319 = arith.constant 0 : i32
      %dma_start3A_320 = arith.constant 0 : i32
      %dma_start3A_321 = arith.constant 0 : i32
      %dma_start3A_322 = tpu.memref_slice %arg11[%dma_start3A_319, %dma_start3A_320, %dma_start3A_321] : memref<8x8x129xf32, #tpu.memory_space<vmem>> -> memref<8x8x128xf32, #tpu.memory_space<vmem>>
      %dma_start3A_323 = arith.constant 0 : i32
      %dma_start3A_324 = arith.constant 0 : i32
      %dma_start3A_325 = arith.constant 0 : i32
      %dma_start3A_326 = tpu.memref_slice %arg4[%add3A_318, %dma_start3A_323, %add3A, %dma_start3A_324, %dma_start3A_325] : memref<200x8x32x8x128xf32, #tpu.memory_space<hbm>> -> memref<1x8x1x8x128xf32, #tpu.memory_space<hbm>>
      %dma_start3A_327 = tpu.memref_squeeze %dma_start3A_326 : memref<1x8x1x8x128xf32, #tpu.memory_space<hbm>> -> memref<8x8x128xf32, #tpu.memory_space<hbm>>
      %dma_start3A_328 = arith.constant 0 : i32
      %dma_start3A_329 = arith.constant 0 : i32
      %dma_start3A_330 = arith.constant 0 : i32
      %dma_start3A_331 = tpu.memref_slice %arg4[%add3A_318, %dma_start3A_328, %add3A, %dma_start3A_329, %dma_start3A_330] : memref<200x8x32x8x128xf32, #tpu.memory_space<hbm>> -> memref<1x8x1x8x128xf32, #tpu.memory_space<hbm>>
      %dma_start3A_332 = tpu.memref_squeeze %dma_start3A_331 : memref<1x8x1x8x128xf32, #tpu.memory_space<hbm>> -> memref<8x8x128xf32, #tpu.memory_space<hbm>>
      %dma_start3A_333 = arith.constant 0 : i32
      %dma_start3A_334 = arith.constant 0 : i32
      %dma_start3A_335 = arith.constant 0 : i32
      %dma_start3A_336 = tpu.memref_slice %arg11[%dma_start3A_333, %dma_start3A_334, %dma_start3A_335] : memref<8x8x129xf32, #tpu.memory_space<vmem>> -> memref<8x8x128xf32, #tpu.memory_space<vmem>>
      tpu.enqueue_dma source(%dma_start3A_336 : memref<8x8x128xf32, #tpu.memory_space<vmem>>) target(%dma_start3A_332 : memref<8x8x128xf32, #tpu.memory_space<hbm>>) target_semaphore(%arg19 : memref<!tpu.dma_semaphore, #tpu.memory_space<semaphore_mem>>)
      %add3A_337 = arith.constant 4 : i32
      %add3A_338 = arith.addi %add3A_303, %add3A_337 : i32
      %add3A_339 = arith.constant 0 : i32
      %add3A_340 = arith.addi %add3A_338, %add3A_339 : i32
      %dma_start3A_341 = arith.constant 0 : i32
      %dma_start3A_342 = tpu.memref_slice %arg6[%add3A_340, %dma_start3A_341] : memref<200x128xi32, #tpu.memory_space<vmem>> -> memref<1x128xi32, #tpu.memory_space<vmem>>
      %dma_start3A_343 = tpu.memref_squeeze %dma_start3A_342 : memref<1x128xi32, #tpu.memory_space<vmem>> -> memref<128xi32, #tpu.memory_space<vmem>>
      %dma_start3A_344 = arith.constant 0 : i32
      %dma_start3A_345 = arith.constant 0 : i32
      %dma_start3A_346 = tpu.memref_slice %arg3[%dma_start3A_344, %dma_start3A_345] : memref<1000000x64xf32, #tpu.memory_space<hbm>> -> memref<1000000x64xf32, #tpu.memory_space<hbm>>
      tpu.enqueue_indirect_dma source(%dma_start3A_346 : memref<1000000x64xf32, #tpu.memory_space<hbm>>) target(%arg7 : memref<128x64xf32, #tpu.memory_space<vmem>>) offsets(%dma_start3A_343 : memref<128xi32, #tpu.memory_space<vmem>>) semaphore(%arg15 : memref<!tpu.dma_semaphore, #tpu.memory_space<semaphore_mem>>)
      %add3A_347 = arith.constant 1 : i32
      %add3A_348 = arith.addi %add3A_303, %add3A_347 : i32
      %dma_wait3A_349 = arith.constant 0 : i32
      %dma_wait3A_350 = tpu.memref_slice %arg6[%add3A_348, %dma_wait3A_349] : memref<200x128xi32, #tpu.memory_space<vmem>> -> memref<1x128xi32, #tpu.memory_space<vmem>>
      %dma_wait3A_351 = tpu.memref_squeeze %dma_wait3A_350 : memref<1x128xi32, #tpu.memory_space<vmem>> -> memref<128xi32, #tpu.memory_space<vmem>>
      %dma_wait3A_352 = arith.constant 0 : i32
      %dma_wait3A_353 = arith.constant 0 : i32
      %dma_wait3A_354 = tpu.memref_slice %arg3[%dma_wait3A_352, %dma_wait3A_353] : memref<1000000x64xf32, #tpu.memory_space<hbm>> -> memref<1000000x64xf32, #tpu.memory_space<hbm>>
      tpu.wait_indirect_dma semaphore(%arg16 : memref<!tpu.dma_semaphore, #tpu.memory_space<semaphore_mem>>) src(%dma_wait3A_354 : memref<1000000x64xf32, #tpu.memory_space<hbm>>) dst(%arg8 : memref<128x64xf32, #tpu.memory_space<vmem>>)
      %scan3A_355 = arith.constant 0 : i32
      %scan3A_356 = arith.constant 128 : i32
      %scan3A_357 = arith.addi %scan3A_355, %scan3A_356 : i32
      %scan3A_358 = arith.constant 1 : i32
      scf.for %scan3A_556 = %scan3A_355 to %scan3A_357 step %scan3A_358  : i32 {
        %mul3A_557 = arith.constant 1 : i32
        %mul3A_558 = arith.muli %scan3A_556, %mul3A_557 : i32
        %add3A_559 = arith.constant 0 : i32
        %add3A_560 = arith.addi %add3A_559, %mul3A_558 : i32
        %broadcast_in_dim3A = vector.broadcast %add3A_560 : i32 to vector<16xi32>
        %get3A = arith.index_cast %add3A_560 : i32 to index
        %get3A_561 = arith.constant 0 : index
        %get3A_562 = tpu.vector_load %arg8[%get3A, %get3A_561] {strides = array<i32>} : memref<128x64xf32, #tpu.memory_space<vmem>>, vector<16xf32>,
        %mul3A_563 = arith.constant 8.000000e+00 : f32
        %mul3A_564 = vector.broadcast %mul3A_563 : f32 to vector<16xf32>
        %mul3A_565 = arith.mulf %get3A_562, %mul3A_564 : vector<16xf32>
        tpu.vector_store_idx %arg12[%add3A_35, %and3A_58, %broadcast_in_dim3A], %mul3A_565 : memref<8x8x129xf32, #tpu.memory_space<vmem>>[vector<16xi32>, vector<16xi32>, vector<16xi32>], vector<16xf32>,
        %get3A_566 = arith.index_cast %add3A_560 : i32 to index
        %get3A_567 = arith.constant 16 : index
        %get3A_568 = tpu.vector_load %arg8[%get3A_566, %get3A_567] {strides = array<i32>} : memref<128x64xf32, #tpu.memory_space<vmem>>, vector<16xf32>,
        %mul3A_569 = arith.constant 8.000000e+00 : f32
        %mul3A_570 = vector.broadcast %mul3A_569 : f32 to vector<16xf32>
        %mul3A_571 = arith.mulf %get3A_568, %mul3A_570 : vector<16xf32>
        tpu.vector_store_idx %arg12[%add3A_42, %and3A_61, %broadcast_in_dim3A], %mul3A_571 : memref<8x8x129xf32, #tpu.memory_space<vmem>>[vector<16xi32>, vector<16xi32>, vector<16xi32>], vector<16xf32>,
        %get3A_572 = arith.index_cast %add3A_560 : i32 to index
        %get3A_573 = arith.constant 32 : index
        %get3A_574 = tpu.vector_load %arg8[%get3A_572, %get3A_573] {strides = array<i32>} : memref<128x64xf32, #tpu.memory_space<vmem>>, vector<16xf32>,
        %mul3A_575 = arith.constant 8.000000e+00 : f32
        %mul3A_576 = vector.broadcast %mul3A_575 : f32 to vector<16xf32>
        %mul3A_577 = arith.mulf %get3A_574, %mul3A_576 : vector<16xf32>
        tpu.vector_store_idx %arg12[%add3A_49, %and3A_64, %broadcast_in_dim3A], %mul3A_577 : memref<8x8x129xf32, #tpu.memory_space<vmem>>[vector<16xi32>, vector<16xi32>, vector<16xi32>], vector<16xf32>,
        %get3A_578 = arith.index_cast %add3A_560 : i32 to index
        %get3A_579 = arith.constant 48 : index
        %get3A_580 = tpu.vector_load %arg8[%get3A_578, %get3A_579] {strides = array<i32>} : memref<128x64xf32, #tpu.memory_space<vmem>>, vector<16xf32>,
        %mul3A_581 = arith.constant 8.000000e+00 : f32
        %mul3A_582 = vector.broadcast %mul3A_581 : f32 to vector<16xf32>
        %mul3A_583 = arith.mulf %get3A_580, %mul3A_582 : vector<16xf32>
        tpu.vector_store_idx %arg12[%add3A_56, %and3A_67, %broadcast_in_dim3A], %mul3A_583 : memref<8x8x129xf32, #tpu.memory_space<vmem>>[vector<16xi32>, vector<16xi32>, vector<16xi32>], vector<16xf32>,
      }
      %scan3A_359 = arith.constant 128 : i32
      %add3A_360 = arith.constant 1 : i32
      %add3A_361 = arith.addi %add3A_303, %add3A_360 : i32
      %dma_start3A_362 = arith.constant 0 : i32
      %dma_start3A_363 = arith.constant 0 : i32
      %dma_start3A_364 = arith.constant 0 : i32
      %dma_start3A_365 = tpu.memref_slice %arg12[%dma_start3A_362, %dma_start3A_363, %dma_start3A_364] : memref<8x8x129xf32, #tpu.memory_space<vmem>> -> memref<8x8x128xf32, #tpu.memory_space<vmem>>
      %dma_start3A_366 = arith.constant 0 : i32
      %dma_start3A_367 = arith.constant 0 : i32
      %dma_start3A_368 = arith.constant 0 : i32
      %dma_start3A_369 = tpu.memref_slice %arg4[%add3A_361, %dma_start3A_366, %add3A, %dma_start3A_367, %dma_start3A_368] : memref<200x8x32x8x128xf32, #tpu.memory_space<hbm>> -> memref<1x8x1x8x128xf32, #tpu.memory_space<hbm>>
      %dma_start3A_370 = tpu.memref_squeeze %dma_start3A_369 : memref<1x8x1x8x128xf32, #tpu.memory_space<hbm>> -> memref<8x8x128xf32, #tpu.memory_space<hbm>>
      %dma_start3A_371 = arith.constant 0 : i32
      %dma_start3A_372 = arith.constant 0 : i32
      %dma_start3A_373 = arith.constant 0 : i32
      %dma_start3A_374 = tpu.memref_slice %arg4[%add3A_361, %dma_start3A_371, %add3A, %dma_start3A_372, %dma_start3A_373] : memref<200x8x32x8x128xf32, #tpu.memory_space<hbm>> -> memref<1x8x1x8x128xf32, #tpu.memory_space<hbm>>
      %dma_start3A_375 = tpu.memref_squeeze %dma_start3A_374 : memref<1x8x1x8x128xf32, #tpu.memory_space<hbm>> -> memref<8x8x128xf32, #tpu.memory_space<hbm>>
      %dma_start3A_376 = arith.constant 0 : i32
      %dma_start3A_377 = arith.constant 0 : i32
      %dma_start3A_378 = arith.constant 0 : i32
      %dma_start3A_379 = tpu.memref_slice %arg12[%dma_start3A_376, %dma_start3A_377, %dma_start3A_378] : memref<8x8x129xf32, #tpu.memory_space<vmem>> -> memref<8x8x128xf32, #tpu.memory_space<vmem>>
      tpu.enqueue_dma source(%dma_start3A_379 : memref<8x8x128xf32, #tpu.memory_space<vmem>>) target(%dma_start3A_375 : memref<8x8x128xf32, #tpu.memory_space<hbm>>) target_semaphore(%arg20 : memref<!tpu.dma_semaphore, #tpu.memory_space<semaphore_mem>>)
      %add3A_380 = arith.constant 4 : i32
      %add3A_381 = arith.addi %add3A_303, %add3A_380 : i32
      %add3A_382 = arith.constant 1 : i32
      %add3A_383 = arith.addi %add3A_381, %add3A_382 : i32
      %dma_start3A_384 = arith.constant 0 : i32
      %dma_start3A_385 = tpu.memref_slice %arg6[%add3A_383, %dma_start3A_384] : memref<200x128xi32, #tpu.memory_space<vmem>> -> memref<1x128xi32, #tpu.memory_space<vmem>>
      %dma_start3A_386 = tpu.memref_squeeze %dma_start3A_385 : memref<1x128xi32, #tpu.memory_space<vmem>> -> memref<128xi32, #tpu.memory_space<vmem>>
      %dma_start3A_387 = arith.constant 0 : i32
      %dma_start3A_388 = arith.constant 0 : i32
      %dma_start3A_389 = tpu.memref_slice %arg3[%dma_start3A_387, %dma_start3A_388] : memref<1000000x64xf32, #tpu.memory_space<hbm>> -> memref<1000000x64xf32, #tpu.memory_space<hbm>>
      tpu.enqueue_indirect_dma source(%dma_start3A_389 : memref<1000000x64xf32, #tpu.memory_space<hbm>>) target(%arg8 : memref<128x64xf32, #tpu.memory_space<vmem>>) offsets(%dma_start3A_386 : memref<128xi32, #tpu.memory_space<vmem>>) semaphore(%arg16 : memref<!tpu.dma_semaphore, #tpu.memory_space<semaphore_mem>>)
      %add3A_390 = arith.constant 2 : i32
      %add3A_391 = arith.addi %add3A_303, %add3A_390 : i32
      %dma_wait3A_392 = arith.constant 0 : i32
      %dma_wait3A_393 = tpu.memref_slice %arg6[%add3A_391, %dma_wait3A_392] : memref<200x128xi32, #tpu.memory_space<vmem>> -> memref<1x128xi32, #tpu.memory_space<vmem>>
      %dma_wait3A_394 = tpu.memref_squeeze %dma_wait3A_393 : memref<1x128xi32, #tpu.memory_space<vmem>> -> memref<128xi32, #tpu.memory_space<vmem>>
      %dma_wait3A_395 = arith.constant 0 : i32
      %dma_wait3A_396 = arith.constant 0 : i32
      %dma_wait3A_397 = tpu.memref_slice %arg3[%dma_wait3A_395, %dma_wait3A_396] : memref<1000000x64xf32, #tpu.memory_space<hbm>> -> memref<1000000x64xf32, #tpu.memory_space<hbm>>
      tpu.wait_indirect_dma semaphore(%arg17 : memref<!tpu.dma_semaphore, #tpu.memory_space<semaphore_mem>>) src(%dma_wait3A_397 : memref<1000000x64xf32, #tpu.memory_space<hbm>>) dst(%arg9 : memref<128x64xf32, #tpu.memory_space<vmem>>)
      %scan3A_398 = arith.constant 0 : i32
      %scan3A_399 = arith.constant 128 : i32
      %scan3A_400 = arith.addi %scan3A_398, %scan3A_399 : i32
      %scan3A_401 = arith.constant 1 : i32
      scf.for %scan3A_556 = %scan3A_398 to %scan3A_400 step %scan3A_401  : i32 {
        %mul3A_557 = arith.constant 1 : i32
        %mul3A_558 = arith.muli %scan3A_556, %mul3A_557 : i32
        %add3A_559 = arith.constant 0 : i32
        %add3A_560 = arith.addi %add3A_559, %mul3A_558 : i32
        %broadcast_in_dim3A = vector.broadcast %add3A_560 : i32 to vector<16xi32>
        %get3A = arith.index_cast %add3A_560 : i32 to index
        %get3A_561 = arith.constant 0 : index
        %get3A_562 = tpu.vector_load %arg9[%get3A, %get3A_561] {strides = array<i32>} : memref<128x64xf32, #tpu.memory_space<vmem>>, vector<16xf32>,
        %mul3A_563 = arith.constant 8.000000e+00 : f32
        %mul3A_564 = vector.broadcast %mul3A_563 : f32 to vector<16xf32>
        %mul3A_565 = arith.mulf %get3A_562, %mul3A_564 : vector<16xf32>
        tpu.vector_store_idx %arg13[%add3A_35, %and3A_58, %broadcast_in_dim3A], %mul3A_565 : memref<8x8x129xf32, #tpu.memory_space<vmem>>[vector<16xi32>, vector<16xi32>, vector<16xi32>], vector<16xf32>,
        %get3A_566 = arith.index_cast %add3A_560 : i32 to index
        %get3A_567 = arith.constant 16 : index
        %get3A_568 = tpu.vector_load %arg9[%get3A_566, %get3A_567] {strides = array<i32>} : memref<128x64xf32, #tpu.memory_space<vmem>>, vector<16xf32>,
        %mul3A_569 = arith.constant 8.000000e+00 : f32
        %mul3A_570 = vector.broadcast %mul3A_569 : f32 to vector<16xf32>
        %mul3A_571 = arith.mulf %get3A_568, %mul3A_570 : vector<16xf32>
        tpu.vector_store_idx %arg13[%add3A_42, %and3A_61, %broadcast_in_dim3A], %mul3A_571 : memref<8x8x129xf32, #tpu.memory_space<vmem>>[vector<16xi32>, vector<16xi32>, vector<16xi32>], vector<16xf32>,
        %get3A_572 = arith.index_cast %add3A_560 : i32 to index
        %get3A_573 = arith.constant 32 : index
        %get3A_574 = tpu.vector_load %arg9[%get3A_572, %get3A_573] {strides = array<i32>} : memref<128x64xf32, #tpu.memory_space<vmem>>, vector<16xf32>,
        %mul3A_575 = arith.constant 8.000000e+00 : f32
        %mul3A_576 = vector.broadcast %mul3A_575 : f32 to vector<16xf32>
        %mul3A_577 = arith.mulf %get3A_574, %mul3A_576 : vector<16xf32>
        tpu.vector_store_idx %arg13[%add3A_49, %and3A_64, %broadcast_in_dim3A], %mul3A_577 : memref<8x8x129xf32, #tpu.memory_space<vmem>>[vector<16xi32>, vector<16xi32>, vector<16xi32>], vector<16xf32>,
        %get3A_578 = arith.index_cast %add3A_560 : i32 to index
        %get3A_579 = arith.constant 48 : index
        %get3A_580 = tpu.vector_load %arg9[%get3A_578, %get3A_579] {strides = array<i32>} : memref<128x64xf32, #tpu.memory_space<vmem>>, vector<16xf32>,
        %mul3A_581 = arith.constant 8.000000e+00 : f32
        %mul3A_582 = vector.broadcast %mul3A_581 : f32 to vector<16xf32>
        %mul3A_583 = arith.mulf %get3A_580, %mul3A_582 : vector<16xf32>
        tpu.vector_store_idx %arg13[%add3A_56, %and3A_67, %broadcast_in_dim3A], %mul3A_583 : memref<8x8x129xf32, #tpu.memory_space<vmem>>[vector<16xi32>, vector<16xi32>, vector<16xi32>], vector<16xf32>,
      }
      %scan3A_402 = arith.constant 128 : i32
      %add3A_403 = arith.constant 2 : i32
      %add3A_404 = arith.addi %add3A_303, %add3A_403 : i32
      %dma_start3A_405 = arith.constant 0 : i32
      %dma_start3A_406 = arith.constant 0 : i32
      %dma_start3A_407 = arith.constant 0 : i32
      %dma_start3A_408 = tpu.memref_slice %arg13[%dma_start3A_405, %dma_start3A_406, %dma_start3A_407] : memref<8x8x129xf32, #tpu.memory_space<vmem>> -> memref<8x8x128xf32, #tpu.memory_space<vmem>>
      %dma_start3A_409 = arith.constant 0 : i32
      %dma_start3A_410 = arith.constant 0 : i32
      %dma_start3A_411 = arith.constant 0 : i32
      %dma_start3A_412 = tpu.memref_slice %arg4[%add3A_404, %dma_start3A_409, %add3A, %dma_start3A_410, %dma_start3A_411] : memref<200x8x32x8x128xf32, #tpu.memory_space<hbm>> -> memref<1x8x1x8x128xf32, #tpu.memory_space<hbm>>
      %dma_start3A_413 = tpu.memref_squeeze %dma_start3A_412 : memref<1x8x1x8x128xf32, #tpu.memory_space<hbm>> -> memref<8x8x128xf32, #tpu.memory_space<hbm>>
      %dma_start3A_414 = arith.constant 0 : i32
      %dma_start3A_415 = arith.constant 0 : i32
      %dma_start3A_416 = arith.constant 0 : i32
      %dma_start3A_417 = tpu.memref_slice %arg4[%add3A_404, %dma_start3A_414, %add3A, %dma_start3A_415, %dma_start3A_416] : memref<200x8x32x8x128xf32, #tpu.memory_space<hbm>> -> memref<1x8x1x8x128xf32, #tpu.memory_space<hbm>>
      %dma_start3A_418 = tpu.memref_squeeze %dma_start3A_417 : memref<1x8x1x8x128xf32, #tpu.memory_space<hbm>> -> memref<8x8x128xf32, #tpu.memory_space<hbm>>
      %dma_start3A_419 = arith.constant 0 : i32
      %dma_start3A_420 = arith.constant 0 : i32
      %dma_start3A_421 = arith.constant 0 : i32
      %dma_start3A_422 = tpu.memref_slice %arg13[%dma_start3A_419, %dma_start3A_420, %dma_start3A_421] : memref<8x8x129xf32, #tpu.memory_space<vmem>> -> memref<8x8x128xf32, #tpu.memory_space<vmem>>
      tpu.enqueue_dma source(%dma_start3A_422 : memref<8x8x128xf32, #tpu.memory_space<vmem>>) target(%dma_start3A_418 : memref<8x8x128xf32, #tpu.memory_space<hbm>>) target_semaphore(%arg21 : memref<!tpu.dma_semaphore, #tpu.memory_space<semaphore_mem>>)
      %add3A_423 = arith.constant 4 : i32
      %add3A_424 = arith.addi %add3A_303, %add3A_423 : i32
      %add3A_425 = arith.constant 2 : i32
      %add3A_426 = arith.addi %add3A_424, %add3A_425 : i32
      %dma_start3A_427 = arith.constant 0 : i32
      %dma_start3A_428 = tpu.memref_slice %arg6[%add3A_426, %dma_start3A_427] : memref<200x128xi32, #tpu.memory_space<vmem>> -> memref<1x128xi32, #tpu.memory_space<vmem>>
      %dma_start3A_429 = tpu.memref_squeeze %dma_start3A_428 : memref<1x128xi32, #tpu.memory_space<vmem>> -> memref<128xi32, #tpu.memory_space<vmem>>
      %dma_start3A_430 = arith.constant 0 : i32
      %dma_start3A_431 = arith.constant 0 : i32
      %dma_start3A_432 = tpu.memref_slice %arg3[%dma_start3A_430, %dma_start3A_431] : memref<1000000x64xf32, #tpu.memory_space<hbm>> -> memref<1000000x64xf32, #tpu.memory_space<hbm>>
      tpu.enqueue_indirect_dma source(%dma_start3A_432 : memref<1000000x64xf32, #tpu.memory_space<hbm>>) target(%arg9 : memref<128x64xf32, #tpu.memory_space<vmem>>) offsets(%dma_start3A_429 : memref<128xi32, #tpu.memory_space<vmem>>) semaphore(%arg17 : memref<!tpu.dma_semaphore, #tpu.memory_space<semaphore_mem>>)
      %add3A_433 = arith.constant 3 : i32
      %add3A_434 = arith.addi %add3A_303, %add3A_433 : i32
      %dma_wait3A_435 = arith.constant 0 : i32
      %dma_wait3A_436 = tpu.memref_slice %arg6[%add3A_434, %dma_wait3A_435] : memref<200x128xi32, #tpu.memory_space<vmem>> -> memref<1x128xi32, #tpu.memory_space<vmem>>
      %dma_wait3A_437 = tpu.memref_squeeze %dma_wait3A_436 : memref<1x128xi32, #tpu.memory_space<vmem>> -> memref<128xi32, #tpu.memory_space<vmem>>
      %dma_wait3A_438 = arith.constant 0 : i32
      %dma_wait3A_439 = arith.constant 0 : i32
      %dma_wait3A_440 = tpu.memref_slice %arg3[%dma_wait3A_438, %dma_wait3A_439] : memref<1000000x64xf32, #tpu.memory_space<hbm>> -> memref<1000000x64xf32, #tpu.memory_space<hbm>>
      tpu.wait_indirect_dma semaphore(%arg18 : memref<!tpu.dma_semaphore, #tpu.memory_space<semaphore_mem>>) src(%dma_wait3A_440 : memref<1000000x64xf32, #tpu.memory_space<hbm>>) dst(%arg10 : memref<128x64xf32, #tpu.memory_space<vmem>>)
      %scan3A_441 = arith.constant 0 : i32
      %scan3A_442 = arith.constant 128 : i32
      %scan3A_443 = arith.addi %scan3A_441, %scan3A_442 : i32
      %scan3A_444 = arith.constant 1 : i32
      scf.for %scan3A_556 = %scan3A_441 to %scan3A_443 step %scan3A_444  : i32 {
        %mul3A_557 = arith.constant 1 : i32
        %mul3A_558 = arith.muli %scan3A_556, %mul3A_557 : i32
        %add3A_559 = arith.constant 0 : i32
        %add3A_560 = arith.addi %add3A_559, %mul3A_558 : i32
        %broadcast_in_dim3A = vector.broadcast %add3A_560 : i32 to vector<16xi32>
        %get3A = arith.index_cast %add3A_560 : i32 to index
        %get3A_561 = arith.constant 0 : index
        %get3A_562 = tpu.vector_load %arg10[%get3A, %get3A_561] {strides = array<i32>} : memref<128x64xf32, #tpu.memory_space<vmem>>, vector<16xf32>,
        %mul3A_563 = arith.constant 8.000000e+00 : f32
        %mul3A_564 = vector.broadcast %mul3A_563 : f32 to vector<16xf32>
        %mul3A_565 = arith.mulf %get3A_562, %mul3A_564 : vector<16xf32>
        tpu.vector_store_idx %arg14[%add3A_35, %and3A_58, %broadcast_in_dim3A], %mul3A_565 : memref<8x8x129xf32, #tpu.memory_space<vmem>>[vector<16xi32>, vector<16xi32>, vector<16xi32>], vector<16xf32>,
        %get3A_566 = arith.index_cast %add3A_560 : i32 to index
        %get3A_567 = arith.constant 16 : index
        %get3A_568 = tpu.vector_load %arg10[%get3A_566, %get3A_567] {strides = array<i32>} : memref<128x64xf32, #tpu.memory_space<vmem>>, vector<16xf32>,
        %mul3A_569 = arith.constant 8.000000e+00 : f32
        %mul3A_570 = vector.broadcast %mul3A_569 : f32 to vector<16xf32>
        %mul3A_571 = arith.mulf %get3A_568, %mul3A_570 : vector<16xf32>
        tpu.vector_store_idx %arg14[%add3A_42, %and3A_61, %broadcast_in_dim3A], %mul3A_571 : memref<8x8x129xf32, #tpu.memory_space<vmem>>[vector<16xi32>, vector<16xi32>, vector<16xi32>], vector<16xf32>,
        %get3A_572 = arith.index_cast %add3A_560 : i32 to index
        %get3A_573 = arith.constant 32 : index
        %get3A_574 = tpu.vector_load %arg10[%get3A_572, %get3A_573] {strides = array<i32>} : memref<128x64xf32, #tpu.memory_space<vmem>>, vector<16xf32>,
        %mul3A_575 = arith.constant 8.000000e+00 : f32
        %mul3A_576 = vector.broadcast %mul3A_575 : f32 to vector<16xf32>
        %mul3A_577 = arith.mulf %get3A_574, %mul3A_576 : vector<16xf32>
        tpu.vector_store_idx %arg14[%add3A_49, %and3A_64, %broadcast_in_dim3A], %mul3A_577 : memref<8x8x129xf32, #tpu.memory_space<vmem>>[vector<16xi32>, vector<16xi32>, vector<16xi32>], vector<16xf32>,
        %get3A_578 = arith.index_cast %add3A_560 : i32 to index
        %get3A_579 = arith.constant 48 : index
        %get3A_580 = tpu.vector_load %arg10[%get3A_578, %get3A_579] {strides = array<i32>} : memref<128x64xf32, #tpu.memory_space<vmem>>, vector<16xf32>,
        %mul3A_581 = arith.constant 8.000000e+00 : f32
        %mul3A_582 = vector.broadcast %mul3A_581 : f32 to vector<16xf32>
        %mul3A_583 = arith.mulf %get3A_580, %mul3A_582 : vector<16xf32>
        tpu.vector_store_idx %arg14[%add3A_56, %and3A_67, %broadcast_in_dim3A], %mul3A_583 : memref<8x8x129xf32, #tpu.memory_space<vmem>>[vector<16xi32>, vector<16xi32>, vector<16xi32>], vector<16xf32>,
      }
      %scan3A_445 = arith.constant 128 : i32
      %add3A_446 = arith.constant 3 : i32
      %add3A_447 = arith.addi %add3A_303, %add3A_446 : i32
      %dma_start3A_448 = arith.constant 0 : i32
      %dma_start3A_449 = arith.constant 0 : i32
      %dma_start3A_450 = arith.constant 0 : i32
      %dma_start3A_451 = tpu.memref_slice %arg14[%dma_start3A_448, %dma_start3A_449, %dma_start3A_450] : memref<8x8x129xf32, #tpu.memory_space<vmem>> -> memref<8x8x128xf32, #tpu.memory_space<vmem>>
      %dma_start3A_452 = arith.constant 0 : i32
      %dma_start3A_453 = arith.constant 0 : i32
      %dma_start3A_454 = arith.constant 0 : i32
      %dma_start3A_455 = tpu.memref_slice %arg4[%add3A_447, %dma_start3A_452, %add3A, %dma_start3A_453, %dma_start3A_454] : memref<200x8x32x8x128xf32, #tpu.memory_space<hbm>> -> memref<1x8x1x8x128xf32, #tpu.memory_space<hbm>>
      %dma_start3A_456 = tpu.memref_squeeze %dma_start3A_455 : memref<1x8x1x8x128xf32, #tpu.memory_space<hbm>> -> memref<8x8x128xf32, #tpu.memory_space<hbm>>
      %dma_start3A_457 = arith.constant 0 : i32
      %dma_start3A_458 = arith.constant 0 : i32
      %dma_start3A_459 = arith.constant 0 : i32
      %dma_start3A_460 = tpu.memref_slice %arg4[%add3A_447, %dma_start3A_457, %add3A, %dma_start3A_458, %dma_start3A_459] : memref<200x8x32x8x128xf32, #tpu.memory_space<hbm>> -> memref<1x8x1x8x128xf32, #tpu.memory_space<hbm>>
      %dma_start3A_461 = tpu.memref_squeeze %dma_start3A_460 : memref<1x8x1x8x128xf32, #tpu.memory_space<hbm>> -> memref<8x8x128xf32, #tpu.memory_space<hbm>>
      %dma_start3A_462 = arith.constant 0 : i32
      %dma_start3A_463 = arith.constant 0 : i32
      %dma_start3A_464 = arith.constant 0 : i32
      %dma_start3A_465 = tpu.memref_slice %arg14[%dma_start3A_462, %dma_start3A_463, %dma_start3A_464] : memref<8x8x129xf32, #tpu.memory_space<vmem>> -> memref<8x8x128xf32, #tpu.memory_space<vmem>>
      tpu.enqueue_dma source(%dma_start3A_465 : memref<8x8x128xf32, #tpu.memory_space<vmem>>) target(%dma_start3A_461 : memref<8x8x128xf32, #tpu.memory_space<hbm>>) target_semaphore(%arg22 : memref<!tpu.dma_semaphore, #tpu.memory_space<semaphore_mem>>)
      %add3A_466 = arith.constant 4 : i32
      %add3A_467 = arith.addi %add3A_303, %add3A_466 : i32
      %add3A_468 = arith.constant 3 : i32
      %add3A_469 = arith.addi %add3A_467, %add3A_468 : i32
      %dma_start3A_470 = arith.constant 0 : i32
      %dma_start3A_471 = tpu.memref_slice %arg6[%add3A_469, %dma_start3A_470] : memref<200x128xi32, #tpu.memory_space<vmem>> -> memref<1x128xi32, #tpu.memory_space<vmem>>
      %dma_start3A_472 = tpu.memref_squeeze %dma_start3A_471 : memref<1x128xi32, #tpu.memory_space<vmem>> -> memref<128xi32, #tpu.memory_space<vmem>>
      %dma_start3A_473 = arith.constant 0 : i32
      %dma_start3A_474 = arith.constant 0 : i32
      %dma_start3A_475 = tpu.memref_slice %arg3[%dma_start3A_473, %dma_start3A_474] : memref<1000000x64xf32, #tpu.memory_space<hbm>> -> memref<1000000x64xf32, #tpu.memory_space<hbm>>
      tpu.enqueue_indirect_dma source(%dma_start3A_475 : memref<1000000x64xf32, #tpu.memory_space<hbm>>) target(%arg10 : memref<128x64xf32, #tpu.memory_space<vmem>>) offsets(%dma_start3A_472 : memref<128xi32, #tpu.memory_space<vmem>>) semaphore(%arg18 : memref<!tpu.dma_semaphore, #tpu.memory_space<semaphore_mem>>)
      %add3A_476 = arith.constant 0 : i32
      %add3A_477 = arith.addi %add3A_303, %add3A_476 : i32
      %dma_wait3A_478 = arith.constant 0 : i32
      %dma_wait3A_479 = arith.constant 0 : i32
      %dma_wait3A_480 = arith.constant 0 : i32
      %dma_wait3A_481 = tpu.memref_slice %arg11[%dma_wait3A_478, %dma_wait3A_479, %dma_wait3A_480] : memref<8x8x129xf32, #tpu.memory_space<vmem>> -> memref<8x8x128xf32, #tpu.memory_space<vmem>>
      %dma_wait3A_482 = arith.constant 0 : i32
      %dma_wait3A_483 = arith.constant 0 : i32
      %dma_wait3A_484 = arith.constant 0 : i32
      %dma_wait3A_485 = tpu.memref_slice %arg4[%add3A_477, %dma_wait3A_482, %add3A, %dma_wait3A_483, %dma_wait3A_484] : memref<200x8x32x8x128xf32, #tpu.memory_space<hbm>> -> memref<1x8x1x8x128xf32, #tpu.memory_space<hbm>>
      %dma_wait3A_486 = tpu.memref_squeeze %dma_wait3A_485 : memref<1x8x1x8x128xf32, #tpu.memory_space<hbm>> -> memref<8x8x128xf32, #tpu.memory_space<hbm>>
      %dma_wait3A_487 = arith.constant 0 : i32
      %dma_wait3A_488 = arith.constant 0 : i32
      %dma_wait3A_489 = arith.constant 0 : i32
      %dma_wait3A_490 = tpu.memref_slice %arg4[%add3A_477, %dma_wait3A_487, %add3A, %dma_wait3A_488, %dma_wait3A_489] : memref<200x8x32x8x128xf32, #tpu.memory_space<hbm>> -> memref<1x8x1x8x128xf32, #tpu.memory_space<hbm>>
      %dma_wait3A_491 = tpu.memref_squeeze %dma_wait3A_490 : memref<1x8x1x8x128xf32, #tpu.memory_space<hbm>> -> memref<8x8x128xf32, #tpu.memory_space<hbm>>
      %dma_wait3A_492 = arith.constant 0 : i32
      %dma_wait3A_493 = arith.constant 0 : i32
      %dma_wait3A_494 = arith.constant 0 : i32
      %dma_wait3A_495 = tpu.memref_slice %arg11[%dma_wait3A_492, %dma_wait3A_493, %dma_wait3A_494] : memref<8x8x129xf32, #tpu.memory_space<vmem>> -> memref<8x8x128xf32, #tpu.memory_space<vmem>>
      tpu.wait_dma2 semaphore(%arg19 : memref<!tpu.dma_semaphore, #tpu.memory_space<semaphore_mem>>) src(%dma_wait3A_495 : memref<8x8x128xf32, #tpu.memory_space<vmem>>) dst(%dma_wait3A_491 : memref<8x8x128xf32, #tpu.memory_space<hbm>>)
      %add3A_496 = arith.constant 1 : i32
      %add3A_497 = arith.addi %add3A_303, %add3A_496 : i32
      %dma_wait3A_498 = arith.constant 0 : i32
      %dma_wait3A_499 = arith.constant 0 : i32
      %dma_wait3A_500 = arith.constant 0 : i32
      %dma_wait3A_501 = tpu.memref_slice %arg12[%dma_wait3A_498, %dma_wait3A_499, %dma_wait3A_500] : memref<8x8x129xf32, #tpu.memory_space<vmem>> -> memref<8x8x128xf32, #tpu.memory_space<vmem>>
      %dma_wait3A_502 = arith.constant 0 : i32
      %dma_wait3A_503 = arith.constant 0 : i32
      %dma_wait3A_504 = arith.constant 0 : i32
      %dma_wait3A_505 = tpu.memref_slice %arg4[%add3A_497, %dma_wait3A_502, %add3A, %dma_wait3A_503, %dma_wait3A_504] : memref<200x8x32x8x128xf32, #tpu.memory_space<hbm>> -> memref<1x8x1x8x128xf32, #tpu.memory_space<hbm>>
      %dma_wait3A_506 = tpu.memref_squeeze %dma_wait3A_505 : memref<1x8x1x8x128xf32, #tpu.memory_space<hbm>> -> memref<8x8x128xf32, #tpu.memory_space<hbm>>
      %dma_wait3A_507 = arith.constant 0 : i32
      %dma_wait3A_508 = arith.constant 0 : i32
      %dma_wait3A_509 = arith.constant 0 : i32
      %dma_wait3A_510 = tpu.memref_slice %arg4[%add3A_497, %dma_wait3A_507, %add3A, %dma_wait3A_508, %dma_wait3A_509] : memref<200x8x32x8x128xf32, #tpu.memory_space<hbm>> -> memref<1x8x1x8x128xf32, #tpu.memory_space<hbm>>
      %dma_wait3A_511 = tpu.memref_squeeze %dma_wait3A_510 : memref<1x8x1x8x128xf32, #tpu.memory_space<hbm>> -> memref<8x8x128xf32, #tpu.memory_space<hbm>>
      %dma_wait3A_512 = arith.constant 0 : i32
      %dma_wait3A_513 = arith.constant 0 : i32
      %dma_wait3A_514 = arith.constant 0 : i32
      %dma_wait3A_515 = tpu.memref_slice %arg12[%dma_wait3A_512, %dma_wait3A_513, %dma_wait3A_514] : memref<8x8x129xf32, #tpu.memory_space<vmem>> -> memref<8x8x128xf32, #tpu.memory_space<vmem>>
      tpu.wait_dma2 semaphore(%arg20 : memref<!tpu.dma_semaphore, #tpu.memory_space<semaphore_mem>>) src(%dma_wait3A_515 : memref<8x8x128xf32, #tpu.memory_space<vmem>>) dst(%dma_wait3A_511 : memref<8x8x128xf32, #tpu.memory_space<hbm>>)
      %add3A_516 = arith.constant 2 : i32
      %add3A_517 = arith.addi %add3A_303, %add3A_516 : i32
      %dma_wait3A_518 = arith.constant 0 : i32
      %dma_wait3A_519 = arith.constant 0 : i32
      %dma_wait3A_520 = arith.constant 0 : i32
      %dma_wait3A_521 = tpu.memref_slice %arg13[%dma_wait3A_518, %dma_wait3A_519, %dma_wait3A_520] : memref<8x8x129xf32, #tpu.memory_space<vmem>> -> memref<8x8x128xf32, #tpu.memory_space<vmem>>
      %dma_wait3A_522 = arith.constant 0 : i32
      %dma_wait3A_523 = arith.constant 0 : i32
      %dma_wait3A_524 = arith.constant 0 : i32
      %dma_wait3A_525 = tpu.memref_slice %arg4[%add3A_517, %dma_wait3A_522, %add3A, %dma_wait3A_523, %dma_wait3A_524] : memref<200x8x32x8x128xf32, #tpu.memory_space<hbm>> -> memref<1x8x1x8x128xf32, #tpu.memory_space<hbm>>
      %dma_wait3A_526 = tpu.memref_squeeze %dma_wait3A_525 : memref<1x8x1x8x128xf32, #tpu.memory_space<hbm>> -> memref<8x8x128xf32, #tpu.memory_space<hbm>>
      %dma_wait3A_527 = arith.constant 0 : i32
      %dma_wait3A_528 = arith.constant 0 : i32
      %dma_wait3A_529 = arith.constant 0 : i32
      %dma_wait3A_530 = tpu.memref_slice %arg4[%add3A_517, %dma_wait3A_527, %add3A, %dma_wait3A_528, %dma_wait3A_529] : memref<200x8x32x8x128xf32, #tpu.memory_space<hbm>> -> memref<1x8x1x8x128xf32, #tpu.memory_space<hbm>>
      %dma_wait3A_531 = tpu.memref_squeeze %dma_wait3A_530 : memref<1x8x1x8x128xf32, #tpu.memory_space<hbm>> -> memref<8x8x128xf32, #tpu.memory_space<hbm>>
      %dma_wait3A_532 = arith.constant 0 : i32
      %dma_wait3A_533 = arith.constant 0 : i32
      %dma_wait3A_534 = arith.constant 0 : i32
      %dma_wait3A_535 = tpu.memref_slice %arg13[%dma_wait3A_532, %dma_wait3A_533, %dma_wait3A_534] : memref<8x8x129xf32, #tpu.memory_space<vmem>> -> memref<8x8x128xf32, #tpu.memory_space<vmem>>
      tpu.wait_dma2 semaphore(%arg21 : memref<!tpu.dma_semaphore, #tpu.memory_space<semaphore_mem>>) src(%dma_wait3A_535 : memref<8x8x128xf32, #tpu.memory_space<vmem>>) dst(%dma_wait3A_531 : memref<8x8x128xf32, #tpu.memory_space<hbm>>)
      %add3A_536 = arith.constant 3 : i32
      %add3A_537 = arith.addi %add3A_303, %add3A_536 : i32
      %dma_wait3A_538 = arith.constant 0 : i32
      %dma_wait3A_539 = arith.constant 0 : i32
      %dma_wait3A_540 = arith.constant 0 : i32
      %dma_wait3A_541 = tpu.memref_slice %arg14[%dma_wait3A_538, %dma_wait3A_539, %dma_wait3A_540] : memref<8x8x129xf32, #tpu.memory_space<vmem>> -> memref<8x8x128xf32, #tpu.memory_space<vmem>>
      %dma_wait3A_542 = arith.constant 0 : i32
      %dma_wait3A_543 = arith.constant 0 : i32
      %dma_wait3A_544 = arith.constant 0 : i32
      %dma_wait3A_545 = tpu.memref_slice %arg4[%add3A_537, %dma_wait3A_542, %add3A, %dma_wait3A_543, %dma_wait3A_544] : memref<200x8x32x8x128xf32, #tpu.memory_space<hbm>> -> memref<1x8x1x8x128xf32, #tpu.memory_space<hbm>>
      %dma_wait3A_546 = tpu.memref_squeeze %dma_wait3A_545 : memref<1x8x1x8x128xf32, #tpu.memory_space<hbm>> -> memref<8x8x128xf32, #tpu.memory_space<hbm>>
      %dma_wait3A_547 = arith.constant 0 : i32
      %dma_wait3A_548 = arith.constant 0 : i32
      %dma_wait3A_549 = arith.constant 0 : i32
      %dma_wait3A_550 = tpu.memref_slice %arg4[%add3A_537, %dma_wait3A_547, %add3A, %dma_wait3A_548, %dma_wait3A_549] : memref<200x8x32x8x128xf32, #tpu.memory_space<hbm>> -> memref<1x8x1x8x128xf32, #tpu.memory_space<hbm>>
      %dma_wait3A_551 = tpu.memref_squeeze %dma_wait3A_550 : memref<1x8x1x8x128xf32, #tpu.memory_space<hbm>> -> memref<8x8x128xf32, #tpu.memory_space<hbm>>
      %dma_wait3A_552 = arith.constant 0 : i32
      %dma_wait3A_553 = arith.constant 0 : i32
      %dma_wait3A_554 = arith.constant 0 : i32
      %dma_wait3A_555 = tpu.memref_slice %arg14[%dma_wait3A_552, %dma_wait3A_553, %dma_wait3A_554] : memref<8x8x129xf32, #tpu.memory_space<vmem>> -> memref<8x8x128xf32, #tpu.memory_space<vmem>>
      tpu.wait_dma2 semaphore(%arg22 : memref<!tpu.dma_semaphore, #tpu.memory_space<semaphore_mem>>) src(%dma_wait3A_555 : memref<8x8x128xf32, #tpu.memory_space<vmem>>) dst(%dma_wait3A_551 : memref<8x8x128xf32, #tpu.memory_space<hbm>>)
    }
    %scan3A_99 = arith.constant 49 : i32
    %dma_wait3A = arith.constant 196 : i32
    %dma_wait3A_100 = arith.constant 0 : i32
    %dma_wait3A_101 = tpu.memref_slice %arg6[%dma_wait3A, %dma_wait3A_100] : memref<200x128xi32, #tpu.memory_space<vmem>> -> memref<1x128xi32, #tpu.memory_space<vmem>>
    %dma_wait3A_102 = tpu.memref_squeeze %dma_wait3A_101 : memref<1x128xi32, #tpu.memory_space<vmem>> -> memref<128xi32, #tpu.memory_space<vmem>>
    %dma_wait3A_103 = arith.constant 0 : i32
    %dma_wait3A_104 = arith.constant 0 : i32
    %dma_wait3A_105 = tpu.memref_slice %arg3[%dma_wait3A_103, %dma_wait3A_104] : memref<1000000x64xf32, #tpu.memory_space<hbm>> -> memref<1000000x64xf32, #tpu.memory_space<hbm>>
    tpu.wait_indirect_dma semaphore(%arg15 : memref<!tpu.dma_semaphore, #tpu.memory_space<semaphore_mem>>) src(%dma_wait3A_105 : memref<1000000x64xf32, #tpu.memory_space<hbm>>) dst(%arg7 : memref<128x64xf32, #tpu.memory_space<vmem>>)
    %scan3A_106 = arith.constant 0 : i32
    %scan3A_107 = arith.constant 128 : i32
    %scan3A_108 = arith.addi %scan3A_106, %scan3A_107 : i32
    %scan3A_109 = arith.constant 1 : i32
    scf.for %scan3A_299 = %scan3A_106 to %scan3A_108 step %scan3A_109  : i32 {
      %mul3A_300 = arith.constant 1 : i32
      %mul3A_301 = arith.muli %scan3A_299, %mul3A_300 : i32
      %add3A_302 = arith.constant 0 : i32
      %add3A_303 = arith.addi %add3A_302, %mul3A_301 : i32
      %broadcast_in_dim3A = vector.broadcast %add3A_303 : i32 to vector<16xi32>
      %get3A = arith.index_cast %add3A_303 : i32 to index
      %get3A_304 = arith.constant 0 : index
      %get3A_305 = tpu.vector_load %arg7[%get3A, %get3A_304] {strides = array<i32>} : memref<128x64xf32, #tpu.memory_space<vmem>>, vector<16xf32>,
      %mul3A_306 = arith.constant 8.000000e+00 : f32
      %mul3A_307 = vector.broadcast %mul3A_306 : f32 to vector<16xf32>
      %mul3A_308 = arith.mulf %get3A_305, %mul3A_307 : vector<16xf32>
      tpu.vector_store_idx %arg11[%add3A_35, %and3A_58, %broadcast_in_dim3A], %mul3A_308 : memref<8x8x129xf32, #tpu.memory_space<vmem>>[vector<16xi32>, vector<16xi32>, vector<16xi32>], vector<16xf32>,
      %get3A_309 = arith.index_cast %add3A_303 : i32 to index
      %get3A_310 = arith.constant 16 : index
      %get3A_311 = tpu.vector_load %arg7[%get3A_309, %get3A_310] {strides = array<i32>} : memref<128x64xf32, #tpu.memory_space<vmem>>, vector<16xf32>,
      %mul3A_312 = arith.constant 8.000000e+00 : f32
      %mul3A_313 = vector.broadcast %mul3A_312 : f32 to vector<16xf32>
      %mul3A_314 = arith.mulf %get3A_311, %mul3A_313 : vector<16xf32>
      tpu.vector_store_idx %arg11[%add3A_42, %and3A_61, %broadcast_in_dim3A], %mul3A_314 : memref<8x8x129xf32, #tpu.memory_space<vmem>>[vector<16xi32>, vector<16xi32>, vector<16xi32>], vector<16xf32>,
      %get3A_315 = arith.index_cast %add3A_303 : i32 to index
      %get3A_316 = arith.constant 32 : index
      %get3A_317 = tpu.vector_load %arg7[%get3A_315, %get3A_316] {strides = array<i32>} : memref<128x64xf32, #tpu.memory_space<vmem>>, vector<16xf32>,
      %mul3A_318 = arith.constant 8.000000e+00 : f32
      %mul3A_319 = vector.broadcast %mul3A_318 : f32 to vector<16xf32>
      %mul3A_320 = arith.mulf %get3A_317, %mul3A_319 : vector<16xf32>
      tpu.vector_store_idx %arg11[%add3A_49, %and3A_64, %broadcast_in_dim3A], %mul3A_320 : memref<8x8x129xf32, #tpu.memory_space<vmem>>[vector<16xi32>, vector<16xi32>, vector<16xi32>], vector<16xf32>,
      %get3A_321 = arith.index_cast %add3A_303 : i32 to index
      %get3A_322 = arith.constant 48 : index
      %get3A_323 = tpu.vector_load %arg7[%get3A_321, %get3A_322] {strides = array<i32>} : memref<128x64xf32, #tpu.memory_space<vmem>>, vector<16xf32>,
      %mul3A_324 = arith.constant 8.000000e+00 : f32
      %mul3A_325 = vector.broadcast %mul3A_324 : f32 to vector<16xf32>
      %mul3A_326 = arith.mulf %get3A_323, %mul3A_325 : vector<16xf32>
      tpu.vector_store_idx %arg11[%add3A_56, %and3A_67, %broadcast_in_dim3A], %mul3A_326 : memref<8x8x129xf32, #tpu.memory_space<vmem>>[vector<16xi32>, vector<16xi32>, vector<16xi32>], vector<16xf32>,
    }
    %scan3A_110 = arith.constant 128 : i32
    %dma_start3A_111 = arith.constant 196 : i32
    %dma_start3A_112 = arith.constant 0 : i32
    %dma_start3A_113 = arith.constant 0 : i32
    %dma_start3A_114 = arith.constant 0 : i32
    %dma_start3A_115 = tpu.memref_slice %arg11[%dma_start3A_112, %dma_start3A_113, %dma_start3A_114] : memref<8x8x129xf32, #tpu.memory_space<vmem>> -> memref<8x8x128xf32, #tpu.memory_space<vmem>>
    %dma_start3A_116 = arith.constant 0 : i32
    %dma_start3A_117 = arith.constant 0 : i32
    %dma_start3A_118 = arith.constant 0 : i32
    %dma_start3A_119 = tpu.memref_slice %arg4[%dma_start3A_111, %dma_start3A_116, %add3A, %dma_start3A_117, %dma_start3A_118] : memref<200x8x32x8x128xf32, #tpu.memory_space<hbm>> -> memref<1x8x1x8x128xf32, #tpu.memory_space<hbm>>
    %dma_start3A_120 = tpu.memref_squeeze %dma_start3A_119 : memref<1x8x1x8x128xf32, #tpu.memory_space<hbm>> -> memref<8x8x128xf32, #tpu.memory_space<hbm>>
    %dma_start3A_121 = arith.constant 0 : i32
    %dma_start3A_122 = arith.constant 0 : i32
    %dma_start3A_123 = arith.constant 0 : i32
    %dma_start3A_124 = tpu.memref_slice %arg4[%dma_start3A_111, %dma_start3A_121, %add3A, %dma_start3A_122, %dma_start3A_123] : memref<200x8x32x8x128xf32, #tpu.memory_space<hbm>> -> memref<1x8x1x8x128xf32, #tpu.memory_space<hbm>>
    %dma_start3A_125 = tpu.memref_squeeze %dma_start3A_124 : memref<1x8x1x8x128xf32, #tpu.memory_space<hbm>> -> memref<8x8x128xf32, #tpu.memory_space<hbm>>
    %dma_start3A_126 = arith.constant 0 : i32
    %dma_start3A_127 = arith.constant 0 : i32
    %dma_start3A_128 = arith.constant 0 : i32
    %dma_start3A_129 = tpu.memref_slice %arg11[%dma_start3A_126, %dma_start3A_127, %dma_start3A_128] : memref<8x8x129xf32, #tpu.memory_space<vmem>> -> memref<8x8x128xf32, #tpu.memory_space<vmem>>
    tpu.enqueue_dma source(%dma_start3A_129 : memref<8x8x128xf32, #tpu.memory_space<vmem>>) target(%dma_start3A_125 : memref<8x8x128xf32, #tpu.memory_space<hbm>>) target_semaphore(%arg19 : memref<!tpu.dma_semaphore, #tpu.memory_space<semaphore_mem>>)
    %dma_wait3A_130 = arith.constant 197 : i32
    %dma_wait3A_131 = arith.constant 0 : i32
    %dma_wait3A_132 = tpu.memref_slice %arg6[%dma_wait3A_130, %dma_wait3A_131] : memref<200x128xi32, #tpu.memory_space<vmem>> -> memref<1x128xi32, #tpu.memory_space<vmem>>
    %dma_wait3A_133 = tpu.memref_squeeze %dma_wait3A_132 : memref<1x128xi32, #tpu.memory_space<vmem>> -> memref<128xi32, #tpu.memory_space<vmem>>
    %dma_wait3A_134 = arith.constant 0 : i32
    %dma_wait3A_135 = arith.constant 0 : i32
    %dma_wait3A_136 = tpu.memref_slice %arg3[%dma_wait3A_134, %dma_wait3A_135] : memref<1000000x64xf32, #tpu.memory_space<hbm>> -> memref<1000000x64xf32, #tpu.memory_space<hbm>>
    tpu.wait_indirect_dma semaphore(%arg16 : memref<!tpu.dma_semaphore, #tpu.memory_space<semaphore_mem>>) src(%dma_wait3A_136 : memref<1000000x64xf32, #tpu.memory_space<hbm>>) dst(%arg8 : memref<128x64xf32, #tpu.memory_space<vmem>>)
    %scan3A_137 = arith.constant 0 : i32
    %scan3A_138 = arith.constant 128 : i32
    %scan3A_139 = arith.addi %scan3A_137, %scan3A_138 : i32
    %scan3A_140 = arith.constant 1 : i32
    scf.for %scan3A_299 = %scan3A_137 to %scan3A_139 step %scan3A_140  : i32 {
      %mul3A_300 = arith.constant 1 : i32
      %mul3A_301 = arith.muli %scan3A_299, %mul3A_300 : i32
      %add3A_302 = arith.constant 0 : i32
      %add3A_303 = arith.addi %add3A_302, %mul3A_301 : i32
      %broadcast_in_dim3A = vector.broadcast %add3A_303 : i32 to vector<16xi32>
      %get3A = arith.index_cast %add3A_303 : i32 to index
      %get3A_304 = arith.constant 0 : index
      %get3A_305 = tpu.vector_load %arg8[%get3A, %get3A_304] {strides = array<i32>} : memref<128x64xf32, #tpu.memory_space<vmem>>, vector<16xf32>,
      %mul3A_306 = arith.constant 8.000000e+00 : f32
      %mul3A_307 = vector.broadcast %mul3A_306 : f32 to vector<16xf32>
      %mul3A_308 = arith.mulf %get3A_305, %mul3A_307 : vector<16xf32>
      tpu.vector_store_idx %arg12[%add3A_35, %and3A_58, %broadcast_in_dim3A], %mul3A_308 : memref<8x8x129xf32, #tpu.memory_space<vmem>>[vector<16xi32>, vector<16xi32>, vector<16xi32>], vector<16xf32>,
      %get3A_309 = arith.index_cast %add3A_303 : i32 to index
      %get3A_310 = arith.constant 16 : index
      %get3A_311 = tpu.vector_load %arg8[%get3A_309, %get3A_310] {strides = array<i32>} : memref<128x64xf32, #tpu.memory_space<vmem>>, vector<16xf32>,
      %mul3A_312 = arith.constant 8.000000e+00 : f32
      %mul3A_313 = vector.broadcast %mul3A_312 : f32 to vector<16xf32>
      %mul3A_314 = arith.mulf %get3A_311, %mul3A_313 : vector<16xf32>
      tpu.vector_store_idx %arg12[%add3A_42, %and3A_61, %broadcast_in_dim3A], %mul3A_314 : memref<8x8x129xf32, #tpu.memory_space<vmem>>[vector<16xi32>, vector<16xi32>, vector<16xi32>], vector<16xf32>,
      %get3A_315 = arith.index_cast %add3A_303 : i32 to index
      %get3A_316 = arith.constant 32 : index
      %get3A_317 = tpu.vector_load %arg8[%get3A_315, %get3A_316] {strides = array<i32>} : memref<128x64xf32, #tpu.memory_space<vmem>>, vector<16xf32>,
      %mul3A_318 = arith.constant 8.000000e+00 : f32
      %mul3A_319 = vector.broadcast %mul3A_318 : f32 to vector<16xf32>
      %mul3A_320 = arith.mulf %get3A_317, %mul3A_319 : vector<16xf32>
      tpu.vector_store_idx %arg12[%add3A_49, %and3A_64, %broadcast_in_dim3A], %mul3A_320 : memref<8x8x129xf32, #tpu.memory_space<vmem>>[vector<16xi32>, vector<16xi32>, vector<16xi32>], vector<16xf32>,
      %get3A_321 = arith.index_cast %add3A_303 : i32 to index
      %get3A_322 = arith.constant 48 : index
      %get3A_323 = tpu.vector_load %arg8[%get3A_321, %get3A_322] {strides = array<i32>} : memref<128x64xf32, #tpu.memory_space<vmem>>, vector<16xf32>,
      %mul3A_324 = arith.constant 8.000000e+00 : f32
      %mul3A_325 = vector.broadcast %mul3A_324 : f32 to vector<16xf32>
      %mul3A_326 = arith.mulf %get3A_323, %mul3A_325 : vector<16xf32>
      tpu.vector_store_idx %arg12[%add3A_56, %and3A_67, %broadcast_in_dim3A], %mul3A_326 : memref<8x8x129xf32, #tpu.memory_space<vmem>>[vector<16xi32>, vector<16xi32>, vector<16xi32>], vector<16xf32>,
    }
    %scan3A_141 = arith.constant 128 : i32
    %dma_start3A_142 = arith.constant 197 : i32
    %dma_start3A_143 = arith.constant 0 : i32
    %dma_start3A_144 = arith.constant 0 : i32
    %dma_start3A_145 = arith.constant 0 : i32
    %dma_start3A_146 = tpu.memref_slice %arg12[%dma_start3A_143, %dma_start3A_144, %dma_start3A_145] : memref<8x8x129xf32, #tpu.memory_space<vmem>> -> memref<8x8x128xf32, #tpu.memory_space<vmem>>
    %dma_start3A_147 = arith.constant 0 : i32
    %dma_start3A_148 = arith.constant 0 : i32
    %dma_start3A_149 = arith.constant 0 : i32
    %dma_start3A_150 = tpu.memref_slice %arg4[%dma_start3A_142, %dma_start3A_147, %add3A, %dma_start3A_148, %dma_start3A_149] : memref<200x8x32x8x128xf32, #tpu.memory_space<hbm>> -> memref<1x8x1x8x128xf32, #tpu.memory_space<hbm>>
    %dma_start3A_151 = tpu.memref_squeeze %dma_start3A_150 : memref<1x8x1x8x128xf32, #tpu.memory_space<hbm>> -> memref<8x8x128xf32, #tpu.memory_space<hbm>>
    %dma_start3A_152 = arith.constant 0 : i32
    %dma_start3A_153 = arith.constant 0 : i32
    %dma_start3A_154 = arith.constant 0 : i32
    %dma_start3A_155 = tpu.memref_slice %arg4[%dma_start3A_142, %dma_start3A_152, %add3A, %dma_start3A_153, %dma_start3A_154] : memref<200x8x32x8x128xf32, #tpu.memory_space<hbm>> -> memref<1x8x1x8x128xf32, #tpu.memory_space<hbm>>
    %dma_start3A_156 = tpu.memref_squeeze %dma_start3A_155 : memref<1x8x1x8x128xf32, #tpu.memory_space<hbm>> -> memref<8x8x128xf32, #tpu.memory_space<hbm>>
    %dma_start3A_157 = arith.constant 0 : i32
    %dma_start3A_158 = arith.constant 0 : i32
    %dma_start3A_159 = arith.constant 0 : i32
    %dma_start3A_160 = tpu.memref_slice %arg12[%dma_start3A_157, %dma_start3A_158, %dma_start3A_159] : memref<8x8x129xf32, #tpu.memory_space<vmem>> -> memref<8x8x128xf32, #tpu.memory_space<vmem>>
    tpu.enqueue_dma source(%dma_start3A_160 : memref<8x8x128xf32, #tpu.memory_space<vmem>>) target(%dma_start3A_156 : memref<8x8x128xf32, #tpu.memory_space<hbm>>) target_semaphore(%arg20 : memref<!tpu.dma_semaphore, #tpu.memory_space<semaphore_mem>>)
    %dma_wait3A_161 = arith.constant 198 : i32
    %dma_wait3A_162 = arith.constant 0 : i32
    %dma_wait3A_163 = tpu.memref_slice %arg6[%dma_wait3A_161, %dma_wait3A_162] : memref<200x128xi32, #tpu.memory_space<vmem>> -> memref<1x128xi32, #tpu.memory_space<vmem>>
    %dma_wait3A_164 = tpu.memref_squeeze %dma_wait3A_163 : memref<1x128xi32, #tpu.memory_space<vmem>> -> memref<128xi32, #tpu.memory_space<vmem>>
    %dma_wait3A_165 = arith.constant 0 : i32
    %dma_wait3A_166 = arith.constant 0 : i32
    %dma_wait3A_167 = tpu.memref_slice %arg3[%dma_wait3A_165, %dma_wait3A_166] : memref<1000000x64xf32, #tpu.memory_space<hbm>> -> memref<1000000x64xf32, #tpu.memory_space<hbm>>
    tpu.wait_indirect_dma semaphore(%arg17 : memref<!tpu.dma_semaphore, #tpu.memory_space<semaphore_mem>>) src(%dma_wait3A_167 : memref<1000000x64xf32, #tpu.memory_space<hbm>>) dst(%arg9 : memref<128x64xf32, #tpu.memory_space<vmem>>)
    %scan3A_168 = arith.constant 0 : i32
    %scan3A_169 = arith.constant 128 : i32
    %scan3A_170 = arith.addi %scan3A_168, %scan3A_169 : i32
    %scan3A_171 = arith.constant 1 : i32
    scf.for %scan3A_299 = %scan3A_168 to %scan3A_170 step %scan3A_171  : i32 {
      %mul3A_300 = arith.constant 1 : i32
      %mul3A_301 = arith.muli %scan3A_299, %mul3A_300 : i32
      %add3A_302 = arith.constant 0 : i32
      %add3A_303 = arith.addi %add3A_302, %mul3A_301 : i32
      %broadcast_in_dim3A = vector.broadcast %add3A_303 : i32 to vector<16xi32>
      %get3A = arith.index_cast %add3A_303 : i32 to index
      %get3A_304 = arith.constant 0 : index
      %get3A_305 = tpu.vector_load %arg9[%get3A, %get3A_304] {strides = array<i32>} : memref<128x64xf32, #tpu.memory_space<vmem>>, vector<16xf32>,
      %mul3A_306 = arith.constant 8.000000e+00 : f32
      %mul3A_307 = vector.broadcast %mul3A_306 : f32 to vector<16xf32>
      %mul3A_308 = arith.mulf %get3A_305, %mul3A_307 : vector<16xf32>
      tpu.vector_store_idx %arg13[%add3A_35, %and3A_58, %broadcast_in_dim3A], %mul3A_308 : memref<8x8x129xf32, #tpu.memory_space<vmem>>[vector<16xi32>, vector<16xi32>, vector<16xi32>], vector<16xf32>,
      %get3A_309 = arith.index_cast %add3A_303 : i32 to index
      %get3A_310 = arith.constant 16 : index
      %get3A_311 = tpu.vector_load %arg9[%get3A_309, %get3A_310] {strides = array<i32>} : memref<128x64xf32, #tpu.memory_space<vmem>>, vector<16xf32>,
      %mul3A_312 = arith.constant 8.000000e+00 : f32
      %mul3A_313 = vector.broadcast %mul3A_312 : f32 to vector<16xf32>
      %mul3A_314 = arith.mulf %get3A_311, %mul3A_313 : vector<16xf32>
      tpu.vector_store_idx %arg13[%add3A_42, %and3A_61, %broadcast_in_dim3A], %mul3A_314 : memref<8x8x129xf32, #tpu.memory_space<vmem>>[vector<16xi32>, vector<16xi32>, vector<16xi32>], vector<16xf32>,
      %get3A_315 = arith.index_cast %add3A_303 : i32 to index
      %get3A_316 = arith.constant 32 : index
      %get3A_317 = tpu.vector_load %arg9[%get3A_315, %get3A_316] {strides = array<i32>} : memref<128x64xf32, #tpu.memory_space<vmem>>, vector<16xf32>,
      %mul3A_318 = arith.constant 8.000000e+00 : f32
      %mul3A_319 = vector.broadcast %mul3A_318 : f32 to vector<16xf32>
      %mul3A_320 = arith.mulf %get3A_317, %mul3A_319 : vector<16xf32>
      tpu.vector_store_idx %arg13[%add3A_49, %and3A_64, %broadcast_in_dim3A], %mul3A_320 : memref<8x8x129xf32, #tpu.memory_space<vmem>>[vector<16xi32>, vector<16xi32>, vector<16xi32>], vector<16xf32>,
      %get3A_321 = arith.index_cast %add3A_303 : i32 to index
      %get3A_322 = arith.constant 48 : index
      %get3A_323 = tpu.vector_load %arg9[%get3A_321, %get3A_322] {strides = array<i32>} : memref<128x64xf32, #tpu.memory_space<vmem>>, vector<16xf32>,
      %mul3A_324 = arith.constant 8.000000e+00 : f32
      %mul3A_325 = vector.broadcast %mul3A_324 : f32 to vector<16xf32>
      %mul3A_326 = arith.mulf %get3A_323, %mul3A_325 : vector<16xf32>
      tpu.vector_store_idx %arg13[%add3A_56, %and3A_67, %broadcast_in_dim3A], %mul3A_326 : memref<8x8x129xf32, #tpu.memory_space<vmem>>[vector<16xi32>, vector<16xi32>, vector<16xi32>], vector<16xf32>,
    }
    %scan3A_172 = arith.constant 128 : i32
    %dma_start3A_173 = arith.constant 198 : i32
    %dma_start3A_174 = arith.constant 0 : i32
    %dma_start3A_175 = arith.constant 0 : i32
    %dma_start3A_176 = arith.constant 0 : i32
    %dma_start3A_177 = tpu.memref_slice %arg13[%dma_start3A_174, %dma_start3A_175, %dma_start3A_176] : memref<8x8x129xf32, #tpu.memory_space<vmem>> -> memref<8x8x128xf32, #tpu.memory_space<vmem>>
    %dma_start3A_178 = arith.constant 0 : i32
    %dma_start3A_179 = arith.constant 0 : i32
    %dma_start3A_180 = arith.constant 0 : i32
    %dma_start3A_181 = tpu.memref_slice %arg4[%dma_start3A_173, %dma_start3A_178, %add3A, %dma_start3A_179, %dma_start3A_180] : memref<200x8x32x8x128xf32, #tpu.memory_space<hbm>> -> memref<1x8x1x8x128xf32, #tpu.memory_space<hbm>>
    %dma_start3A_182 = tpu.memref_squeeze %dma_start3A_181 : memref<1x8x1x8x128xf32, #tpu.memory_space<hbm>> -> memref<8x8x128xf32, #tpu.memory_space<hbm>>
    %dma_start3A_183 = arith.constant 0 : i32
    %dma_start3A_184 = arith.constant 0 : i32
    %dma_start3A_185 = arith.constant 0 : i32
    %dma_start3A_186 = tpu.memref_slice %arg4[%dma_start3A_173, %dma_start3A_183, %add3A, %dma_start3A_184, %dma_start3A_185] : memref<200x8x32x8x128xf32, #tpu.memory_space<hbm>> -> memref<1x8x1x8x128xf32, #tpu.memory_space<hbm>>
    %dma_start3A_187 = tpu.memref_squeeze %dma_start3A_186 : memref<1x8x1x8x128xf32, #tpu.memory_space<hbm>> -> memref<8x8x128xf32, #tpu.memory_space<hbm>>
    %dma_start3A_188 = arith.constant 0 : i32
    %dma_start3A_189 = arith.constant 0 : i32
    %dma_start3A_190 = arith.constant 0 : i32
    %dma_start3A_191 = tpu.memref_slice %arg13[%dma_start3A_188, %dma_start3A_189, %dma_start3A_190] : memref<8x8x129xf32, #tpu.memory_space<vmem>> -> memref<8x8x128xf32, #tpu.memory_space<vmem>>
    tpu.enqueue_dma source(%dma_start3A_191 : memref<8x8x128xf32, #tpu.memory_space<vmem>>) target(%dma_start3A_187 : memref<8x8x128xf32, #tpu.memory_space<hbm>>) target_semaphore(%arg21 : memref<!tpu.dma_semaphore, #tpu.memory_space<semaphore_mem>>)
    %dma_wait3A_192 = arith.constant 199 : i32
    %dma_wait3A_193 = arith.constant 0 : i32
    %dma_wait3A_194 = tpu.memref_slice %arg6[%dma_wait3A_192, %dma_wait3A_193] : memref<200x128xi32, #tpu.memory_space<vmem>> -> memref<1x128xi32, #tpu.memory_space<vmem>>
    %dma_wait3A_195 = tpu.memref_squeeze %dma_wait3A_194 : memref<1x128xi32, #tpu.memory_space<vmem>> -> memref<128xi32, #tpu.memory_space<vmem>>
    %dma_wait3A_196 = arith.constant 0 : i32
    %dma_wait3A_197 = arith.constant 0 : i32
    %dma_wait3A_198 = tpu.memref_slice %arg3[%dma_wait3A_196, %dma_wait3A_197] : memref<1000000x64xf32, #tpu.memory_space<hbm>> -> memref<1000000x64xf32, #tpu.memory_space<hbm>>
    tpu.wait_indirect_dma semaphore(%arg18 : memref<!tpu.dma_semaphore, #tpu.memory_space<semaphore_mem>>) src(%dma_wait3A_198 : memref<1000000x64xf32, #tpu.memory_space<hbm>>) dst(%arg10 : memref<128x64xf32, #tpu.memory_space<vmem>>)
    %scan3A_199 = arith.constant 0 : i32
    %scan3A_200 = arith.constant 128 : i32
    %scan3A_201 = arith.addi %scan3A_199, %scan3A_200 : i32
    %scan3A_202 = arith.constant 1 : i32
    scf.for %scan3A_299 = %scan3A_199 to %scan3A_201 step %scan3A_202  : i32 {
      %mul3A_300 = arith.constant 1 : i32
      %mul3A_301 = arith.muli %scan3A_299, %mul3A_300 : i32
      %add3A_302 = arith.constant 0 : i32
      %add3A_303 = arith.addi %add3A_302, %mul3A_301 : i32
      %broadcast_in_dim3A = vector.broadcast %add3A_303 : i32 to vector<16xi32>
      %get3A = arith.index_cast %add3A_303 : i32 to index
      %get3A_304 = arith.constant 0 : index
      %get3A_305 = tpu.vector_load %arg10[%get3A, %get3A_304] {strides = array<i32>} : memref<128x64xf32, #tpu.memory_space<vmem>>, vector<16xf32>,
      %mul3A_306 = arith.constant 8.000000e+00 : f32
      %mul3A_307 = vector.broadcast %mul3A_306 : f32 to vector<16xf32>
      %mul3A_308 = arith.mulf %get3A_305, %mul3A_307 : vector<16xf32>
      tpu.vector_store_idx %arg14[%add3A_35, %and3A_58, %broadcast_in_dim3A], %mul3A_308 : memref<8x8x129xf32, #tpu.memory_space<vmem>>[vector<16xi32>, vector<16xi32>, vector<16xi32>], vector<16xf32>,
      %get3A_309 = arith.index_cast %add3A_303 : i32 to index
      %get3A_310 = arith.constant 16 : index
      %get3A_311 = tpu.vector_load %arg10[%get3A_309, %get3A_310] {strides = array<i32>} : memref<128x64xf32, #tpu.memory_space<vmem>>, vector<16xf32>,
      %mul3A_312 = arith.constant 8.000000e+00 : f32
      %mul3A_313 = vector.broadcast %mul3A_312 : f32 to vector<16xf32>
      %mul3A_314 = arith.mulf %get3A_311, %mul3A_313 : vector<16xf32>
      tpu.vector_store_idx %arg14[%add3A_42, %and3A_61, %broadcast_in_dim3A], %mul3A_314 : memref<8x8x129xf32, #tpu.memory_space<vmem>>[vector<16xi32>, vector<16xi32>, vector<16xi32>], vector<16xf32>,
      %get3A_315 = arith.index_cast %add3A_303 : i32 to index
      %get3A_316 = arith.constant 32 : index
      %get3A_317 = tpu.vector_load %arg10[%get3A_315, %get3A_316] {strides = array<i32>} : memref<128x64xf32, #tpu.memory_space<vmem>>, vector<16xf32>,
      %mul3A_318 = arith.constant 8.000000e+00 : f32
      %mul3A_319 = vector.broadcast %mul3A_318 : f32 to vector<16xf32>
      %mul3A_320 = arith.mulf %get3A_317, %mul3A_319 : vector<16xf32>
      tpu.vector_store_idx %arg14[%add3A_49, %and3A_64, %broadcast_in_dim3A], %mul3A_320 : memref<8x8x129xf32, #tpu.memory_space<vmem>>[vector<16xi32>, vector<16xi32>, vector<16xi32>], vector<16xf32>,
      %get3A_321 = arith.index_cast %add3A_303 : i32 to index
      %get3A_322 = arith.constant 48 : index
      %get3A_323 = tpu.vector_load %arg10[%get3A_321, %get3A_322] {strides = array<i32>} : memref<128x64xf32, #tpu.memory_space<vmem>>, vector<16xf32>,
      %mul3A_324 = arith.constant 8.000000e+00 : f32
      %mul3A_325 = vector.broadcast %mul3A_324 : f32 to vector<16xf32>
      %mul3A_326 = arith.mulf %get3A_323, %mul3A_325 : vector<16xf32>
      tpu.vector_store_idx %arg14[%add3A_56, %and3A_67, %broadcast_in_dim3A], %mul3A_326 : memref<8x8x129xf32, #tpu.memory_space<vmem>>[vector<16xi32>, vector<16xi32>, vector<16xi32>], vector<16xf32>,
    }
    %scan3A_203 = arith.constant 128 : i32
    %dma_start3A_204 = arith.constant 199 : i32
    %dma_start3A_205 = arith.constant 0 : i32
    %dma_start3A_206 = arith.constant 0 : i32
    %dma_start3A_207 = arith.constant 0 : i32
    %dma_start3A_208 = tpu.memref_slice %arg14[%dma_start3A_205, %dma_start3A_206, %dma_start3A_207] : memref<8x8x129xf32, #tpu.memory_space<vmem>> -> memref<8x8x128xf32, #tpu.memory_space<vmem>>
    %dma_start3A_209 = arith.constant 0 : i32
    %dma_start3A_210 = arith.constant 0 : i32
    %dma_start3A_211 = arith.constant 0 : i32
    %dma_start3A_212 = tpu.memref_slice %arg4[%dma_start3A_204, %dma_start3A_209, %add3A, %dma_start3A_210, %dma_start3A_211] : memref<200x8x32x8x128xf32, #tpu.memory_space<hbm>> -> memref<1x8x1x8x128xf32, #tpu.memory_space<hbm>>
    %dma_start3A_213 = tpu.memref_squeeze %dma_start3A_212 : memref<1x8x1x8x128xf32, #tpu.memory_space<hbm>> -> memref<8x8x128xf32, #tpu.memory_space<hbm>>
    %dma_start3A_214 = arith.constant 0 : i32
    %dma_start3A_215 = arith.constant 0 : i32
    %dma_start3A_216 = arith.constant 0 : i32
    %dma_start3A_217 = tpu.memref_slice %arg4[%dma_start3A_204, %dma_start3A_214, %add3A, %dma_start3A_215, %dma_start3A_216] : memref<200x8x32x8x128xf32, #tpu.memory_space<hbm>> -> memref<1x8x1x8x128xf32, #tpu.memory_space<hbm>>
    %dma_start3A_218 = tpu.memref_squeeze %dma_start3A_217 : memref<1x8x1x8x128xf32, #tpu.memory_space<hbm>> -> memref<8x8x128xf32, #tpu.memory_space<hbm>>
    %dma_start3A_219 = arith.constant 0 : i32
    %dma_start3A_220 = arith.constant 0 : i32
    %dma_start3A_221 = arith.constant 0 : i32
    %dma_start3A_222 = tpu.memref_slice %arg14[%dma_start3A_219, %dma_start3A_220, %dma_start3A_221] : memref<8x8x129xf32, #tpu.memory_space<vmem>> -> memref<8x8x128xf32, #tpu.memory_space<vmem>>
    tpu.enqueue_dma source(%dma_start3A_222 : memref<8x8x128xf32, #tpu.memory_space<vmem>>) target(%dma_start3A_218 : memref<8x8x128xf32, #tpu.memory_space<hbm>>) target_semaphore(%arg22 : memref<!tpu.dma_semaphore, #tpu.memory_space<semaphore_mem>>)
    %dma_wait3A_223 = arith.constant 196 : i32
    %dma_wait3A_224 = arith.constant 0 : i32
    %dma_wait3A_225 = arith.constant 0 : i32
    %dma_wait3A_226 = arith.constant 0 : i32
    %dma_wait3A_227 = tpu.memref_slice %arg11[%dma_wait3A_224, %dma_wait3A_225, %dma_wait3A_226] : memref<8x8x129xf32, #tpu.memory_space<vmem>> -> memref<8x8x128xf32, #tpu.memory_space<vmem>>
    %dma_wait3A_228 = arith.constant 0 : i32
    %dma_wait3A_229 = arith.constant 0 : i32
    %dma_wait3A_230 = arith.constant 0 : i32
    %dma_wait3A_231 = tpu.memref_slice %arg4[%dma_wait3A_223, %dma_wait3A_228, %add3A, %dma_wait3A_229, %dma_wait3A_230] : memref<200x8x32x8x128xf32, #tpu.memory_space<hbm>> -> memref<1x8x1x8x128xf32, #tpu.memory_space<hbm>>
    %dma_wait3A_232 = tpu.memref_squeeze %dma_wait3A_231 : memref<1x8x1x8x128xf32, #tpu.memory_space<hbm>> -> memref<8x8x128xf32, #tpu.memory_space<hbm>>
    %dma_wait3A_233 = arith.constant 0 : i32
    %dma_wait3A_234 = arith.constant 0 : i32
    %dma_wait3A_235 = arith.constant 0 : i32
    %dma_wait3A_236 = tpu.memref_slice %arg4[%dma_wait3A_223, %dma_wait3A_233, %add3A, %dma_wait3A_234, %dma_wait3A_235] : memref<200x8x32x8x128xf32, #tpu.memory_space<hbm>> -> memref<1x8x1x8x128xf32, #tpu.memory_space<hbm>>
    %dma_wait3A_237 = tpu.memref_squeeze %dma_wait3A_236 : memref<1x8x1x8x128xf32, #tpu.memory_space<hbm>> -> memref<8x8x128xf32, #tpu.memory_space<hbm>>
    %dma_wait3A_238 = arith.constant 0 : i32
    %dma_wait3A_239 = arith.constant 0 : i32
    %dma_wait3A_240 = arith.constant 0 : i32
    %dma_wait3A_241 = tpu.memref_slice %arg11[%dma_wait3A_238, %dma_wait3A_239, %dma_wait3A_240] : memref<8x8x129xf32, #tpu.memory_space<vmem>> -> memref<8x8x128xf32, #tpu.memory_space<vmem>>
    tpu.wait_dma2 semaphore(%arg19 : memref<!tpu.dma_semaphore, #tpu.memory_space<semaphore_mem>>) src(%dma_wait3A_241 : memref<8x8x128xf32, #tpu.memory_space<vmem>>) dst(%dma_wait3A_237 : memref<8x8x128xf32, #tpu.memory_space<hbm>>)
    %dma_wait3A_242 = arith.constant 197 : i32
    %dma_wait3A_243 = arith.constant 0 : i32
    %dma_wait3A_244 = arith.constant 0 : i32
    %dma_wait3A_245 = arith.constant 0 : i32
    %dma_wait3A_246 = tpu.memref_slice %arg12[%dma_wait3A_243, %dma_wait3A_244, %dma_wait3A_245] : memref<8x8x129xf32, #tpu.memory_space<vmem>> -> memref<8x8x128xf32, #tpu.memory_space<vmem>>
    %dma_wait3A_247 = arith.constant 0 : i32
    %dma_wait3A_248 = arith.constant 0 : i32
    %dma_wait3A_249 = arith.constant 0 : i32
    %dma_wait3A_250 = tpu.memref_slice %arg4[%dma_wait3A_242, %dma_wait3A_247, %add3A, %dma_wait3A_248, %dma_wait3A_249] : memref<200x8x32x8x128xf32, #tpu.memory_space<hbm>> -> memref<1x8x1x8x128xf32, #tpu.memory_space<hbm>>
    %dma_wait3A_251 = tpu.memref_squeeze %dma_wait3A_250 : memref<1x8x1x8x128xf32, #tpu.memory_space<hbm>> -> memref<8x8x128xf32, #tpu.memory_space<hbm>>
    %dma_wait3A_252 = arith.constant 0 : i32
    %dma_wait3A_253 = arith.constant 0 : i32
    %dma_wait3A_254 = arith.constant 0 : i32
    %dma_wait3A_255 = tpu.memref_slice %arg4[%dma_wait3A_242, %dma_wait3A_252, %add3A, %dma_wait3A_253, %dma_wait3A_254] : memref<200x8x32x8x128xf32, #tpu.memory_space<hbm>> -> memref<1x8x1x8x128xf32, #tpu.memory_space<hbm>>
    %dma_wait3A_256 = tpu.memref_squeeze %dma_wait3A_255 : memref<1x8x1x8x128xf32, #tpu.memory_space<hbm>> -> memref<8x8x128xf32, #tpu.memory_space<hbm>>
    %dma_wait3A_257 = arith.constant 0 : i32
    %dma_wait3A_258 = arith.constant 0 : i32
    %dma_wait3A_259 = arith.constant 0 : i32
    %dma_wait3A_260 = tpu.memref_slice %arg12[%dma_wait3A_257, %dma_wait3A_258, %dma_wait3A_259] : memref<8x8x129xf32, #tpu.memory_space<vmem>> -> memref<8x8x128xf32, #tpu.memory_space<vmem>>
    tpu.wait_dma2 semaphore(%arg20 : memref<!tpu.dma_semaphore, #tpu.memory_space<semaphore_mem>>) src(%dma_wait3A_260 : memref<8x8x128xf32, #tpu.memory_space<vmem>>) dst(%dma_wait3A_256 : memref<8x8x128xf32, #tpu.memory_space<hbm>>)
    %dma_wait3A_261 = arith.constant 198 : i32
    %dma_wait3A_262 = arith.constant 0 : i32
    %dma_wait3A_263 = arith.constant 0 : i32
    %dma_wait3A_264 = arith.constant 0 : i32
    %dma_wait3A_265 = tpu.memref_slice %arg13[%dma_wait3A_262, %dma_wait3A_263, %dma_wait3A_264] : memref<8x8x129xf32, #tpu.memory_space<vmem>> -> memref<8x8x128xf32, #tpu.memory_space<vmem>>
    %dma_wait3A_266 = arith.constant 0 : i32
    %dma_wait3A_267 = arith.constant 0 : i32
    %dma_wait3A_268 = arith.constant 0 : i32
    %dma_wait3A_269 = tpu.memref_slice %arg4[%dma_wait3A_261, %dma_wait3A_266, %add3A, %dma_wait3A_267, %dma_wait3A_268] : memref<200x8x32x8x128xf32, #tpu.memory_space<hbm>> -> memref<1x8x1x8x128xf32, #tpu.memory_space<hbm>>
    %dma_wait3A_270 = tpu.memref_squeeze %dma_wait3A_269 : memref<1x8x1x8x128xf32, #tpu.memory_space<hbm>> -> memref<8x8x128xf32, #tpu.memory_space<hbm>>
    %dma_wait3A_271 = arith.constant 0 : i32
    %dma_wait3A_272 = arith.constant 0 : i32
    %dma_wait3A_273 = arith.constant 0 : i32
    %dma_wait3A_274 = tpu.memref_slice %arg4[%dma_wait3A_261, %dma_wait3A_271, %add3A, %dma_wait3A_272, %dma_wait3A_273] : memref<200x8x32x8x128xf32, #tpu.memory_space<hbm>> -> memref<1x8x1x8x128xf32, #tpu.memory_space<hbm>>
    %dma_wait3A_275 = tpu.memref_squeeze %dma_wait3A_274 : memref<1x8x1x8x128xf32, #tpu.memory_space<hbm>> -> memref<8x8x128xf32, #tpu.memory_space<hbm>>
    %dma_wait3A_276 = arith.constant 0 : i32
    %dma_wait3A_277 = arith.constant 0 : i32
    %dma_wait3A_278 = arith.constant 0 : i32
    %dma_wait3A_279 = tpu.memref_slice %arg13[%dma_wait3A_276, %dma_wait3A_277, %dma_wait3A_278] : memref<8x8x129xf32, #tpu.memory_space<vmem>> -> memref<8x8x128xf32, #tpu.memory_space<vmem>>
    tpu.wait_dma2 semaphore(%arg21 : memref<!tpu.dma_semaphore, #tpu.memory_space<semaphore_mem>>) src(%dma_wait3A_279 : memref<8x8x128xf32, #tpu.memory_space<vmem>>) dst(%dma_wait3A_275 : memref<8x8x128xf32, #tpu.memory_space<hbm>>)
    %dma_wait3A_280 = arith.constant 199 : i32
    %dma_wait3A_281 = arith.constant 0 : i32
    %dma_wait3A_282 = arith.constant 0 : i32
    %dma_wait3A_283 = arith.constant 0 : i32
    %dma_wait3A_284 = tpu.memref_slice %arg14[%dma_wait3A_281, %dma_wait3A_282, %dma_wait3A_283] : memref<8x8x129xf32, #tpu.memory_space<vmem>> -> memref<8x8x128xf32, #tpu.memory_space<vmem>>
    %dma_wait3A_285 = arith.constant 0 : i32
    %dma_wait3A_286 = arith.constant 0 : i32
    %dma_wait3A_287 = arith.constant 0 : i32
    %dma_wait3A_288 = tpu.memref_slice %arg4[%dma_wait3A_280, %dma_wait3A_285, %add3A, %dma_wait3A_286, %dma_wait3A_287] : memref<200x8x32x8x128xf32, #tpu.memory_space<hbm>> -> memref<1x8x1x8x128xf32, #tpu.memory_space<hbm>>
    %dma_wait3A_289 = tpu.memref_squeeze %dma_wait3A_288 : memref<1x8x1x8x128xf32, #tpu.memory_space<hbm>> -> memref<8x8x128xf32, #tpu.memory_space<hbm>>
    %dma_wait3A_290 = arith.constant 0 : i32
    %dma_wait3A_291 = arith.constant 0 : i32
    %dma_wait3A_292 = arith.constant 0 : i32
    %dma_wait3A_293 = tpu.memref_slice %arg4[%dma_wait3A_280, %dma_wait3A_290, %add3A, %dma_wait3A_291, %dma_wait3A_292] : memref<200x8x32x8x128xf32, #tpu.memory_space<hbm>> -> memref<1x8x1x8x128xf32, #tpu.memory_space<hbm>>
    %dma_wait3A_294 = tpu.memref_squeeze %dma_wait3A_293 : memref<1x8x1x8x128xf32, #tpu.memory_space<hbm>> -> memref<8x8x128xf32, #tpu.memory_space<hbm>>
    %dma_wait3A_295 = arith.constant 0 : i32
    %dma_wait3A_296 = arith.constant 0 : i32
    %dma_wait3A_297 = arith.constant 0 : i32
    %dma_wait3A_298 = tpu.memref_slice %arg14[%dma_wait3A_295, %dma_wait3A_296, %dma_wait3A_297] : memref<8x8x129xf32, #tpu.memory_space<vmem>> -> memref<8x8x128xf32, #tpu.memory_space<vmem>>
    tpu.wait_dma2 semaphore(%arg22 : memref<!tpu.dma_semaphore, #tpu.memory_space<semaphore_mem>>) src(%dma_wait3A_298 : memref<8x8x128xf32, #tpu.memory_space<vmem>>) dst(%dma_wait3A_294 : memref<8x8x128xf32, #tpu.memory_space<hbm>>)
    return
  }
}

</mosaic_0001>

<sc_bundles>
// kernel: kernel.3.cloned.1.call-start
scs
__scs_entry_jumppad:
0x0: {  	(pc) =	sbr.rel $0x88, $3  }
0x1: {  	(tag) =	ssettag $0x0;
	lr =	simm.s32 $0x1  }
0x2: {  	[smem:$0x3F9F] =	sst lr;
	_ =	strace $0xD0000000  }
0x3: {  	_ = 	snop  }
0x4: {  	_ = 	snop  }
0x5: {  	_ = 	snop  }
0x6: {  	_ = 	snop  }
0x7: {  	_ = 	snop  }
__scs_overlays_trampoline_lowered:
0x8: {  	[smem:$0x3FAE] =	sst s0  }
0x9: {  	[smem:$0x3FAF] =	sst s1  }
0xa: {  	[smem:$0x3FB0] =	sst s2  }
0xb: {  	[smem:$0x3FB1] =	sst s3  }
0xc: {  	[smem:$0x3FB2] =	sst s4  }
0xd: {  	[smem:$0x3FB3] =	sst s5  }
0xe: {  	[smem:$0x3FB4] =	sst s6  }
0xf: {  	[smem:$0x3FB5] =	sst s7  }
0x10: {  	[smem:$0x3FB6] =	sst s8  }
0x11: {  	[smem:$0x3FB7] =	sst s9;
	s0 =	simm.s32 @!p0 $0x0  }
0x12: {  	s1 =	sld [smem:$0x3F9D];
	s0 =	simm.s32 @p0 $0x1  }
0x13: {  	[smem:$0x3FB8] =	sst s0;
	s0 =	simm.s32 @!p1 $0x0  }
0x14: {  	s2 =	sld [smem:$0x3F9C];
	s0 =	simm.s32 @p1 $0x1  }
0x15: {  	[smem:$0x3FB9] =	sst s0;
	s0 =	simm.s32 @!p2 $0x0  }
0x16: {  	s3 =	sld [smem:$0x3FDB];
	s0 =	simm.s32 @p2 $0x1  }
0x17: {  	s4 =	simm.s32 $0x1BF5;
	[smem:$0x3FBB] =	sst s0  }
0x18: {  	s0 =	sld [smem:$0x3F9E];
	_ =	swait.ge [sflag:s4], $0x0  }
0x19: {  	s7 =	sld [smem:$0x3F9F]  }
0x1a: {  	s8 =	sadd.s32 $0xFFFFE003, lr  }
0x1b: {  	s9 =	sadd.s32 $0xFFFFFEF7, lr;
	s5 =	simm.s32 $0xFFFFFFFF;
	p2 =	slt.u32 s8, $0xFFFFF086  }
0x1c: {  	p1 =	slt.u32 s9, $0xF7A;
	s5 =	simm.s32 @!p2 $0x0  }
0x1d: {  	s5 =	simm.s32 @p1 $0x1;
	p0 =	seq.s32 s7, s2  }
0x1e: {  	s7 =	smul.u32 @!p0 $0xF7A, s2;
	p2 =	seq.s32 @!p0 s5, $0x0  }
0x1f: {  	s9 =	smul.u32 $0xF7A, s1;
	s8 =	simm.s32 @!p0 $0x1BF5;
	p2 =	por !p2, p0  }
0x20: {  	[sflag:s8] =	ssyncset.s32 @!p0 $0xFFFFF086;
	s6 =	sadd.s32 @!p0 s3, s7;
	s7 =	simm.s32 @!p0 $0x108  }
0x21: {  	s3 =	sadd.s32 s3, s9;
	s6 =	sadd.s32 @!p0 $0x88, s6;
	s7 =	simm.s32 @p2 $0x1082  }
0x22: {  	[simem:s7], [sflag:s8] =	dma.local @!p0 [hbm:s6], $0xF7A  }
0x23: {  	s9 =	sor.u32 $0xD0000000, s2;
	s6 =	simm.s32 $0x108;
	_ =	swait.ge @!p0 [sflag:s8], $0x0  }
0x24: {  	s3 =	sadd.s32 $0x88, s3;
	s6 =	simm.s32 @!p1 $0x1082;
	[sflag:s4] =	ssyncset.s32 $0xFFFFF086  }
0x25: {  	[simem:s6], [sflag:s4] =	dma.local [hbm:s3], $0xF7A  }
0x26: {  	[smem:$0x3F9F] =	sst s1;
	(tag) =	ssettag s2;
	_ =	strace s9  }
0x27: {  	s1 =	sld [smem:$0x3FAF]  }
0x28: {  	s2 =	sld [smem:$0x3FB0]  }
0x29: {  	s4 =	sld [smem:$0x3FB2]  }
0x2a: {  	p0 =	seq.s32 s5, $0x0;
	s5 =	sld [smem:$0x3FB3]  }
0x2b: {  	s6 =	sld [smem:$0x3FB4]  }
0x2c: {  	s7 =	sld [smem:$0x3FB5]  }
0x2d: {  	s3 =	simm.s32 $0x108;
	s8 =	sld [smem:$0x3FB6]  }
0x2e: {  	s3 =	simm.s32 @!p0 $0x1082;
	s9 =	sld [smem:$0x3FB7]  }
0x2f: {  	lr =	sadd.s32 s0, s3;
	s0 =	sld [smem:$0x3FAE]  }
0x30: {  	s3 =	sld [smem:$0x3FB1]  }
0x31: {  	[smem:$0x3FBA] =	sst s10  }
0x32: {  	s10 =	sld [smem:$0x3FB8];
	_ =	sdelay $0x3  }
0x33: {  	p0 =	seq.s32 s10, $0x1;
	s10 =	sld [smem:$0x3FBA];
	_ =	sdelay $0x3  }
0x34: {  	[smem:$0x3FBA] =	sst s10  }
0x35: {  	s10 =	sld [smem:$0x3FB9];
	_ =	sdelay $0x3  }
0x36: {  	p1 =	seq.s32 s10, $0x1;
	s10 =	sld [smem:$0x3FBA];
	_ =	sdelay $0x3  }
0x37: {  	[smem:$0x3FBA] =	sst s10  }
0x38: {  	s10 =	sld [smem:$0x3FBB]  }
0x39: {  	_ = 	snop;
	(pc) =	sbr.ind lr, $3  }
0x3a: {  	_ = 	snop  }
0x3b: {  	_ = 	snop  }
0x3c: {  	p2 =	seq.s32 s10, $0x1;
	s10 =	sld [smem:$0x3FBA]  }
0x3d: {  	_ =	shalt  }
0x3e: {  	_ =	shalt  }
0x3f: {  	_ =	shalt  }
0x40: {  	_ =	shalt  }
0x41: {  	_ =	shalt  }
0x42: {  	_ =	shalt  }
0x43: {  	_ =	shalt  }
0x44: {  	_ =	shalt  }
0x45: {  	_ =	shalt  }
0x46: {  	_ =	shalt  }
0x47: {  	_ =	shalt  }
0x48: {  	_ =	shalt  }
0x49: {  	_ =	shalt  }
0x4a: {  	_ =	shalt  }
0x4b: {  	_ =	shalt  }
0x4c: {  	_ =	shalt  }
0x4d: {  	_ =	shalt  }
0x4e: {  	_ =	shalt  }
0x4f: {  	_ =	shalt  }
0x50: {  	_ =	shalt  }
0x51: {  	_ =	shalt  }
0x52: {  	_ =	shalt  }
0x53: {  	_ =	shalt  }
0x54: {  	_ =	shalt  }
0x55: {  	_ =	shalt  }
0x56: {  	_ =	shalt  }
0x57: {  	_ =	shalt  }
0x58: {  	_ =	shalt  }
0x59: {  	_ =	shalt  }
0x5a: {  	_ =	shalt  }
0x5b: {  	_ =	shalt  }
0x5c: {  	_ =	shalt  }
0x5d: {  	_ =	shalt  }
0x5e: {  	_ =	shalt  }
0x5f: {  	_ =	shalt  }
0x60: {  	_ =	shalt  }
0x61: {  	_ =	shalt  }
0x62: {  	_ =	shalt  }
0x63: {  	_ =	shalt  }
0x64: {  	_ =	shalt  }
0x65: {  	_ =	shalt  }
0x66: {  	_ =	shalt  }
0x67: {  	_ =	shalt  }
0x68: {  	_ =	shalt  }
0x69: {  	_ =	shalt  }
0x6a: {  	_ =	shalt  }
0x6b: {  	_ =	shalt  }
0x6c: {  	_ =	shalt  }
0x6d: {  	_ =	shalt  }
0x6e: {  	_ =	shalt  }
0x6f: {  	_ =	shalt  }
0x70: {  	_ =	shalt  }
0x71: {  	_ =	shalt  }
0x72: {  	_ =	shalt  }
0x73: {  	_ =	shalt  }
0x74: {  	_ =	shalt  }
0x75: {  	_ =	shalt  }
0x76: {  	_ =	shalt  }
0x77: {  	_ =	shalt  }
0x78: {  	_ =	shalt  }
0x79: {  	_ =	shalt  }
0x7a: {  	_ =	shalt  }
0x7b: {  	_ =	shalt  }
0x7c: {  	_ =	shalt  }
0x7d: {  	_ =	shalt  }
0x7e: {  	_ =	shalt  }
0x7f: {  	_ =	shalt  }
0x80: {  	_ =	shalt  }
0x81: {  	_ =	shalt  }
0x82: {  	_ =	shalt  }
0x83: {  	_ =	shalt  }
0x84: {  	_ =	shalt  }
0x85: {  	_ =	shalt  }
0x86: {  	_ =	shalt  }
0x87: {  	_ =	shalt  }
.Lfunc_end0:
.L_simem_size_0:
called_computation_lowered:
.L_overlay_start_0:
0x88: {  	s2 =	sld [smem:$0x3FD9]  }
0x89: {  	s3 =	sld [smem:$0x3FFE];
	_ =	sdelay $0x1  }
0x8a: {  	s1 =	srdreg.scid  }
0x8b: {  	s0 =	sand.u32 $0x1, s1  }
0x8c: {  	s17 =	sshll.u32 s0, $0xA;
	s2 =	sadd.s32 s3, s2  }
0x8d: {  	s2 =	sadd.s32 s2, s17  }
0x8e: {  	[smem:$0x3FC6] =	sst s2  }
0x8f: {  	_ = 	snop  }
0x90: {  	s2 =	sld [smem:$0x3FD0];
	(tm) =	ssettm $0x1  }
0x91: {  	s18 =	sld [smem:$0x3FFB];
	_ =	sdelay $0x3  }
0x92: {  	_ =	strace s18  }
0x93: {  	s3 =	sld [smem:$0x3FFC];
	_ =	sdelay $0x3  }
0x94: {  	_ =	strace s3  }
0x95: {  	s3 =	sld [smem:$0x3FFD];
	_ =	sdelay $0x3  }
0x96: {  	_ =	strace s3  }
0x97: {  	_ =	strace $0x8FFFFFFF  }
0x98: {  	s19 =	sld [smem:$0x3FDB];
	_ =	sdelay $0x1  }
0x99: {  	s4 =	simm.s32 $_scs_section_size  }
0x9a: {  	s5 =	simm.s32 $_size__tile_overlayer_lowered;
	s6 =	simm.s32 $_tile_overlayer_lowered  }
0x9b: {  	s22 =	simm.s32 $0x1BFF;
	s21 =	sshll.u32 s6, $0x1;
	s3 =	sadd.s32 s4, s19  }
0x9c: {  	s7 =	simm.s32 $0x0;
	s20 =	sshll.u32 s5, $0x1;
	s5 =	sadd.s32 s21, s3  }
0x9d: {  	[timem:s7], [sflag:s22] =	dma.local [hbm:s5], s20  }
0x9e: {  	_ =	swait.ge [sflag:s22], s20  }
0x9f: {  	s4 =	ssub.s32 $0x0, s20;
	[sflag:s22] =	ssyncset.done $0x0  }
0xa0: {  	[sflag:s22] =	ssyncadd.s32 s4;
	_ =	sdelay $0x1  }
0xa1: {  	s23 =	simm.s32 $0x1B8B  }
0xa2: {  	_ =	swait.ge [sflag:s23], $0x1  }
0xa3: {  	[sflag:s23] =	ssyncset.done $0x0  }
0xa4: {  	s25 =	simm.s32 $0x1B8E;
	s24 =	sld [smem:$0x3FFE];
	[sflag:s23] =	ssyncadd.s32 $0xFFFFFFFF  }
0xa5: {  	s26 =	simm.s32 $execute0_lowered;
	[smem:$0x3FD2] =	sst s25  }
0xa6: {  	s5 =	sshll.u32 s26, $0x1;
	_ =	strace $0x80000046;
	[dreg:$0x1] =	wrdreg $0xFFFFFFFF  }
0xa7: {  	s28 =	simm.s32 $_size_execute0_lowered;
	s3 =	sadd.s32 s3, s5;
	[dreg:$0x0] =	wrdreg $0x0  }
0xa8: {  	s5 =	sshll.u32 s28, $0x1;
	[dreg:$0x2] =	wrdreg s3  }
0xa9: {  	[dreg:$0x3] =	wrdreg s5  }
0xaa: {  	[dreg:$0x4] =	wrdreg $0xC0  }
0xab: {  	_ =	task [dreg:s7], $0x5FFFF  }
0xac: {  	[dreg:$0x1] =	wrdreg $0xFFFFFFFF  }
0xad: {  	[dreg:$0x0] =	wrdreg $0x60  }
0xae: {  	[dreg:$0x2] =	wrdreg s24  }
0xaf: {  	[dreg:$0x3] =	wrdreg s2  }
0xb0: {  	[dreg:$0x4] =	wrdreg $0x9  }
0xb1: {  	_ =	task.clear_ibuf [dreg:s7], $0x5FFFF;
	_ =	strace $0x90000046  }
0xb2: {  	s29 =	simm.s32 $0x9;
	_ =	strace $0x80000048  }
0xb3: {  	_ =	swait.ge [sflag:s29], $0x1  }
0xb4: {  	[sflag:s29] =	ssyncadd.s32 $0xFFFFFFFF  }
0xb5: {  	_ =	strace $0x90000048  }
0xb6: {  	_ =	sfence  }
0xb7: {  	s30 =	sld [smem:$0x0];
	_ =	sdelay $0x2  }
0xb8: {  	s31 =	sshll.u32 s1, $0xD;
	s1 =	sshrl.u32 s1, $0x2  }
0xb9: {  	s3 =	sand.u32 $0x4000, s31;
	s1 =	sadd.s32 s1, s30  }
0xba: {  	s0 =	sor.u32 s3, s0;
	s1 =	sshll.u32 s1, $0x11  }
0xbb: {  	s0 =	sor.u32 s1, s0  }
0xbc: {  	s0 =	sadd.s32 $0x8F2B, s0  }
0xbd: {  	[sflag:s0] =	ssyncadd.remote.s32 $0x1  }
0xbe: {  	_ =	sfence.sel $0xFFFF  }
0xbf: {  	[dreg:$0x0] =	wrdreg $0xFFFFFFFF;
	(pc) =	sbr.abs _section_cstart, $3  }
0xc0: {  	[dreg:$0x1] =	wrdreg $0xFFFFFFFF  }
0xc1: {  	_ =	task.clear_ibuf [dreg:s7], $0x2FFFF;
	_ =	strace $0x9FFFFFFF  }
0xc2: {  	(tm) =	ssettm $0x7FFFFFFF  }
0xc3: {  	_ =	shalt  }
tec
execute0_lowered:
.L_overlay_start_1:
0x0: {  	(tag) =	ssettag $0x1  }
0x1: {  	s0 =	srdreg.scid;
	s1 =	rddreg [dreg:$0x0]  }
0x2: {  	s2 =	stileid.u32;
	s9 =	rddreg [dreg:$0x1];
	s3 =	simm.s32 $0x0  }
0x3: {  	s16 =	simm.s32 $0x80;
	s28 =	simm.s32 $0x2;
	s29 =	simm.s32 $0x16A00  }
0x4: {  	s30 =	simm.s32 $0x3;
	s31 =	simm.s32 $0x18C00;
	s17 =	simm.s32 $0x5  }
0x5: {  	s19 =	simm.s32 $0x6;
	s21 =	simm.s32 $0x7;
	s14 =	simm.s32 $0x0  }
0x6: {  	s0 =	sand.u32 $0x1, s0;
	s2 =	sshll.u32 s2, $0x1;
	[smem:$0x7FF] =	sst s3  }
0x7: {  	s7 =	sadd.s32 $0x8000, s9;
	s2 =	sor.u32 s0, s2;
	s0 =	ssub.s32 $0x2, s0  }
0x8: {  	s8 =	sadd.s32 $0x10000, s9;
	s4 =	smul.u32 $0xC80, s2;
	s5 =	sshrl.u32 s0, $0x1  }
0x9: {  	_ =	strace $0x80000047;
	s0 =	ssub.s32 s0, s5;
	s5 =	sshll.u32 s2, $0x7  }
0xa: {  	s6 =	sadd.s32 s4, s1;
	s4 =	sadd.s32 $0xF42A00, s1;
	s0 =	smax.u32 s0, $0x1  }
0xb: {  	v5 =	vlaneseq.u32;
	s23 =	sadd.s32 s5, s9;
	s22 =	sadd.s32 $0x600, s6;
	[dreg:$0x8] =	wrdreg s0  }
0xc: {  	v0 =	vmul.u32 $0xC8, v5;
	s9 =	sadd.s32 $0x18000, s9;
	s24 =	sadd.s32 $0x620000, s23;
	[dreg:$0x3] =	wrdreg s22  }
0xd: {  	s25 =	sadd.s32 $0x628000, s23;
	s26 =	sadd.s32 $0x630000, s23;
	[dreg:$0x4] =	wrdreg s24  }
0xe: {  	v5 =	vmul.u32 $0x88, v5;
	v1 =	vadd.s32 $0xC80, v0;
	s1 =	sadd.s32 $0x638000, s23;
	s0 =	simm.s32 $0x1AE00;
	[dreg:$0x5] =	wrdreg s25  }
0xf: {  	v2 =	vadd.s32 $0x1900, v0;
	v3 =	vadd.s32 $0x2580, v0;
	v4 =	vadd.s32 $0x3200, v0;
	s23 =	simm.s32 $0x8;
	s6 =	simm.s32 $0x0;
	[dreg:$0x6] =	wrdreg s26  }
0x10: {  	v6 =	vadd.s32 $0x3E80, v0;
	v7 =	vadd.s32 $0x4B00, v0;
	v8 =	vadd.s32 $0x5780, v0;
	[dreg:$0x7] =	wrdreg s1;
	s22 =	simm.s32 $0x10800;
	s24 =	simm.s32 $0x12800  }
0x11: {  	v9 =	vadd.s32 $0x880, v5;
	v10 =	vadd.s32 $0x1100, v5;
	v11 =	vadd.s32 $0x1980, v5;
	s25 =	simm.s32 $0x1;
	s26 =	simm.s32 $0x14800;
	s1 =	simm.s32 $0x4  }
.LBB2_1:
0x12: {  	v12 =	vmov s3  }
0x13: {  	[dreg:$0x9] =	wrdreg s6;
	v12 =	vand.u32 $0xFF, v12  }
0x14: {  	s2 =	rddreg [dreg:$0x3];
	s18 =	simm.s32 $0x9;
	v13 =	vadd.s32 v0, v12  }
0x15: {  	[tilespmem:s3], [sflag:$0x9] =	stream.linear.gather [hbm4b:s2+s3], $0x6400, $0x38;
	[tilespmem:$0x1D000] =	vst v63  }
0x16: {  	_ =	swait.ge [sflag:s18], $0x6400  }
0x17: {  	[sflag:s18] =	ssyncset.done $0x0  }
0x18: {  	[sflag:s18] =	ssyncadd.s32 $0xFFFF9C00  }
0x19: {  	v13 =	vld.idx.msk [tilespmem:v13+s3+$0x0], $0xffff  }
0x1a: {  	v14 =	vadd.s32 v1, v12;
	_ =	sdelay $0x2  }
0x1b: {  	s6 =	simm.s32 $0x6440  }
0x1c: {  	[tilespmem:s6+$0xFFFFFFC0] =	vst v13  }
0x1d: {  	v13 =	vld.idx.msk [tilespmem:v14+s3+$0x0], $0xffff  }
0x1e: {  	v14 =	vadd.s32 v2, v12;
	_ =	sdelay $0x3  }
0x1f: {  	[tilespmem:s6+$0xFFFFFFD0] =	vst v13  }
0x20: {  	v13 =	vld.idx.msk [tilespmem:v14+s3+$0x0], $0xffff  }
0x21: {  	v14 =	vadd.s32 v3, v12;
	_ =	sdelay $0x3  }
0x22: {  	[tilespmem:s6+$0xFFFFFFE0] =	vst v13  }
0x23: {  	v13 =	vld.idx.msk [tilespmem:v14+s3+$0x0], $0xffff  }
0x24: {  	v14 =	vadd.s32 v4, v12;
	_ =	sdelay $0x3  }
0x25: {  	[tilespmem:s6+$0xFFFFFFF0] =	vst v13  }
0x26: {  	v13 =	vld.idx.msk [tilespmem:v14+s3+$0x0], $0xffff  }
0x27: {  	v14 =	vadd.s32 v6, v12;
	_ =	sdelay $0x3  }
0x28: {  	[tilespmem:s6+$0x0] =	vst v13  }
0x29: {  	v13 =	vld.idx.msk [tilespmem:v14+s3+$0x0], $0xffff  }
0x2a: {  	v14 =	vadd.s32 v7, v12;
	_ =	sdelay $0x3  }
0x2b: {  	[tilespmem:s6+$0x10] =	vst v13  }
0x2c: {  	v13 =	vld.idx.msk [tilespmem:v14+s3+$0x0], $0xffff  }
0x2d: {  	v12 =	vadd.s32 v8, v12;
	_ =	sdelay $0x3  }
0x2e: {  	s20 =	simm.s32 $0x1;
	[tilespmem:s6+$0x20] =	vst v13  }
0x2f: {  	s10 =	simm.s32 $0x2;
	v13 =	vmov s20;
	v12 =	vld.idx.msk [tilespmem:v12+s3+$0x0], $0xffff  }
.LBB2_2:
0x30: {  	p0 =	sne.s32 s10, $0xC7;
	v13 =	vand.u32 $0xFF, v13  }
0x31: {  	v14 =	vadd.s32 v0, v13;
	_ =	sdelay $0x3  }
0x32: {  	[tilespmem:s6+$0x30] =	vst v12  }
0x33: {  	v12 =	vld.idx.msk [tilespmem:v14+s3+$0x0], $0xffff;
	_ =	sdelay $0x1  }
0x34: {  	v14 =	vadd.s32 v1, v13;
	_ =	sdelay $0x2  }
0x35: {  	s6 =	sadd.s32 $0x80, s6  }
0x36: {  	[tilespmem:s6+$0xFFFFFFC0] =	vst v12  }
0x37: {  	v12 =	vld.idx.msk [tilespmem:v14+s3+$0x0], $0xffff;
	_ =	sdelay $0x1  }
0x38: {  	v14 =	vadd.s32 v2, v13;
	_ =	sdelay $0x3  }
0x39: {  	[tilespmem:s6+$0xFFFFFFD0] =	vst v12  }
0x3a: {  	v12 =	vld.idx.msk [tilespmem:v14+s3+$0x0], $0xffff;
	_ =	sdelay $0x1  }
0x3b: {  	v14 =	vadd.s32 v3, v13;
	_ =	sdelay $0x3  }
0x3c: {  	[tilespmem:s6+$0xFFFFFFE0] =	vst v12  }
0x3d: {  	v12 =	vld.idx.msk [tilespmem:v14+s3+$0x0], $0xffff;
	_ =	sdelay $0x1  }
0x3e: {  	v14 =	vadd.s32 v4, v13;
	_ =	sdelay $0x3  }
0x3f: {  	[tilespmem:s6+$0xFFFFFFF0] =	vst v12  }
0x40: {  	v12 =	vld.idx.msk [tilespmem:v14+s3+$0x0], $0xffff;
	_ =	sdelay $0x1  }
0x41: {  	v14 =	vadd.s32 v6, v13;
	_ =	sdelay $0x3  }
0x42: {  	[tilespmem:s6+$0x0] =	vst v12  }
0x43: {  	v12 =	vld.idx.msk [tilespmem:v14+s3+$0x0], $0xffff;
	_ =	sdelay $0x1  }
0x44: {  	v14 =	vadd.s32 v7, v13;
	_ =	sdelay $0x3  }
0x45: {  	[tilespmem:s6+$0x10] =	vst v12  }
0x46: {  	v12 =	vld.idx.msk [tilespmem:v14+s3+$0x0], $0xffff;
	_ =	sdelay $0x1  }
0x47: {  	v14 =	vadd.s32 v8, v13  }
.Ltmp0:
0x48: {  	(pc) =	sbr.rel @p0 .LBB2_2-.Ltmp0, $3  }
0x49: {  	_ =	sdelay $0x1  }
0x4a: {  	[tilespmem:s6+$0x20] =	vst v12  }
0x4b: {  	v13 =	vmov s10;
	s10 =	sadd.s32 $0x1, s10;
	v12 =	vld.idx.msk [tilespmem:v14+s3+$0x0], $0xffff  }
0x4c: {  	v13 =	vand.u32 $0xFF, v13  }
0x4d: {  	v14 =	vadd.s32 v0, v13;
	_ =	sdelay $0x3  }
0x4e: {  	[tilespmem:s6+$0x30] =	vst v12  }
0x4f: {  	v12 =	vld.idx.msk [tilespmem:v14+s3+$0x0], $0xffff  }
0x50: {  	v58 =	vadd.s32 v1, v13;
	_ =	sdelay $0x2  }
0x51: {  	s2 =	sadd.s32 $0x80, s6  }
0x52: {  	[tilespmem:s2+$0xFFFFFFC0] =	vst v12  }
0x53: {  	v12 =	vld.idx.msk [tilespmem:v58+s3+$0x0], $0xffff  }
0x54: {  	v59 =	vadd.s32 v2, v13;
	_ =	sdelay $0x3  }
0x55: {  	[tilespmem:s2+$0xFFFFFFD0] =	vst v12  }
0x56: {  	v12 =	vld.idx.msk [tilespmem:v59+s3+$0x0], $0xffff  }
0x57: {  	v60 =	vadd.s32 v3, v13;
	_ =	sdelay $0x3  }
0x58: {  	[tilespmem:s2+$0xFFFFFFE0] =	vst v12  }
0x59: {  	v12 =	vld.idx.msk [tilespmem:v60+s3+$0x0], $0xffff  }
0x5a: {  	v61 =	vadd.s32 v4, v13;
	_ =	sdelay $0x3  }
0x5b: {  	[tilespmem:s2+$0xFFFFFFF0] =	vst v12  }
0x5c: {  	v12 =	vld.idx.msk [tilespmem:v61+s3+$0x0], $0xffff  }
0x5d: {  	v62 =	vadd.s32 v6, v13;
	_ =	sdelay $0x3  }
0x5e: {  	[tilespmem:s2+$0x0] =	vst v12  }
0x5f: {  	v12 =	vld.idx.msk [tilespmem:v62+s3+$0x0], $0xffff  }
0x60: {  	v63 =	vadd.s32 v7, v13;
	_ =	sdelay $0x3  }
0x61: {  	[tilespmem:s2+$0x10] =	vst v12  }
0x62: {  	v12 =	vld.idx.msk [tilespmem:v63+s3+$0x0], $0xffff  }
0x63: {  	v13 =	vadd.s32 v8, v13;
	_ =	sdelay $0x3  }
0x64: {  	[tilespmem:s2+$0x20] =	vst v12  }
0x65: {  	v12 =	vld.idx.msk [tilespmem:v13+s3+$0x0], $0xffff;
	_ =	sdelay $0x4  }
0x66: {  	s11 =	simm.s32 $0x6400;
	s12 =	simm.s32 $0xC800;
	[tilespmem:s2+$0x30] =	vst v12  }
0x67: {  	[tilespmem:s12], [sflag:$0x1] =	stream.indirect.gather [hbm4b:s4+s16], $0x40, s11, s16, $0xb8;
	[tilespmem:$0x1D000] =	vst v63  }
0x68: {  	s13 =	simm.s32 $0x6480;
	s15 =	simm.s32 $0xE800  }
0x69: {  	[tilespmem:s15], [sflag:$0x2] =	stream.indirect.gather [hbm4b:s4+s16], $0x40, s13, s16, $0xb8;
	[tilespmem:$0x1D000] =	vst v63  }
0x6a: {  	s18 =	simm.s32 $0x6500  }
0x6b: {  	[tilespmem:s22], [sflag:$0x3] =	stream.indirect.gather [hbm4b:s4+s16], $0x40, s18, s16, $0xb8;
	[tilespmem:$0x1D000] =	vst v63  }
0x6c: {  	s20 =	simm.s32 $0x6580;
	s15 =	simm.s32 $0x0  }
0x6d: {  	[tilespmem:s24], [sflag:$0x4] =	stream.indirect.gather [hbm4b:s4+s16], $0x40, s20, s16, $0xb8;
	[tilespmem:$0x1D000] =	vst v63  }
.LBB2_4:
0x6e: {  	_ =	swait.ge [sflag:s25], $0x2000  }
0x6f: {  	[sflag:s25] =	ssyncset.done $0x0  }
0x70: {  	s6 =	simm.s32 $0xC820;
	[sflag:s25] =	ssyncadd.s32 $0xFFFFE000  }
0x71: {  	v12 =	vmov s14;
	v13 =	vld [tilespmem:s6+$0xFFFFFFE0]  }
0x72: {  	v12 =	vand.u32 $0x7F, v12  }
0x73: {  	v14 =	vadd.s32 v5, v12;
	_ =	sdelay $0x2  }
0x74: {  	v13 =	vmul.f32 $8.000000000e+00, v13;
	_ =	sdelay $0x1  }
0x75: {  	[tilespmem:v14+s26+$0x0] =	vst.idx.msk $0xffff, v13  }
0x76: {  	v13 =	vld [tilespmem:s6+$0xFFFFFFF0];
	_ =	sdelay $0x1  }
0x77: {  	v14 =	vadd.s32 v9, v12;
	_ =	sdelay $0x2  }
0x78: {  	v13 =	vmul.f32 $8.000000000e+00, v13;
	_ =	sdelay $0x1  }
0x79: {  	[tilespmem:v14+s26+$0x0] =	vst.idx.msk $0xffff, v13  }
0x7a: {  	v13 =	vld [tilespmem:s6+$0x0];
	_ =	sdelay $0x1  }
0x7b: {  	v14 =	vadd.s32 v10, v12;
	_ =	sdelay $0x2  }
0x7c: {  	v13 =	vmul.f32 $8.000000000e+00, v13;
	_ =	sdelay $0x1  }
0x7d: {  	[tilespmem:v14+s26+$0x0] =	vst.idx.msk $0xffff, v13  }
0x7e: {  	v13 =	vld [tilespmem:s6+$0x10];
	_ =	sdelay $0x1  }
0x7f: {  	v12 =	vadd.s32 v11, v12;
	_ =	sdelay $0x2  }
0x80: {  	s10 =	simm.s32 $0x1;
	v13 =	vmul.f32 $8.000000000e+00, v13  }
.LBB2_5:
0x81: {  	p0 =	sne.s32 s10, $0x7F  }
0x82: {  	s6 =	sadd.s32 $0x40, s6;
	s2 =	smov.u32 s10;
	s10 =	sadd.s32 $0x1, s10;
	[tilespmem:v12+s26+$0x0] =	vst.idx.msk $0xffff, v13  }
0x83: {  	v12 =	vmov s2;
	v13 =	vld [tilespmem:s6+$0xFFFFFFE0]  }
0x84: {  	v12 =	vand.u32 $0x7F, v12  }
0x85: {  	v14 =	vadd.s32 v5, v12;
	_ =	sdelay $0x2  }
0x86: {  	v13 =	vmul.f32 $8.000000000e+00, v13;
	_ =	sdelay $0x1  }
0x87: {  	[tilespmem:v14+s26+$0x0] =	vst.idx.msk $0xffff, v13  }
0x88: {  	v13 =	vld [tilespmem:s6+$0xFFFFFFF0];
	_ =	sdelay $0x1  }
0x89: {  	v14 =	vadd.s32 v9, v12;
	_ =	sdelay $0x2  }
0x8a: {  	v13 =	vmul.f32 $8.000000000e+00, v13;
	_ =	sdelay $0x1  }
0x8b: {  	[tilespmem:v14+s26+$0x0] =	vst.idx.msk $0xffff, v13  }
0x8c: {  	v13 =	vld [tilespmem:s6+$0x0];
	_ =	sdelay $0x1  }
0x8d: {  	v14 =	vadd.s32 v10, v12;
	_ =	sdelay $0x2  }
0x8e: {  	v13 =	vmul.f32 $8.000000000e+00, v13;
	_ =	sdelay $0x1  }
0x8f: {  	[tilespmem:v14+s26+$0x0] =	vst.idx.msk $0xffff, v13  }
0x90: {  	v13 =	vld [tilespmem:s6+$0x10]  }
.Ltmp1:
0x91: {  	(pc) =	sbr.rel @p0 .LBB2_5-.Ltmp1, $2  }
0x92: {  	v12 =	vadd.s32 v11, v12;
	_ =	sdelay $0x2  }
0x93: {  	v13 =	vmul.f32 $8.000000000e+00, v13  }
0x94: {  	_ =	sdelay $0x1  }
0x95: {  	s2 =	sshll.u32 s15, $0x11  }
0x96: {  	s11 =	rddreg [dreg:$0x1];
	s6 =	sor.u32 s5, s2  }
0x97: {  	s12 =	simm.s32 $0x14800;
	[tilespmem:v12+s26+$0x0] =	vst.idx.msk $0xffff, v13;
	s11 =	sadd.s32 s11, s6  }
0x98: {  	[hbm4b:s11+s3] =	stream.linear.scatter [tilespmem:s12], [sflag:$0x5], $0x80, $0x38;
	[tilespmem:$0x1D000] =	vst v63  }
0x99: {  	s13 =	simm.s32 $0x14888;
	s10 =	sadd.s32 $0x10, s11  }
0x9a: {  	[hbm4b:s10+s3] =	stream.linear.scatter [tilespmem:s13], [sflag:$0x5], $0x80, $0x38;
	[tilespmem:$0x1D000] =	vst v63  }
0x9b: {  	s18 =	simm.s32 $0x14910;
	s20 =	sadd.s32 $0x20, s11;
	s12 =	simm.s32 $0x14998  }
0x9c: {  	[hbm4b:s20+s3] =	stream.linear.scatter [tilespmem:s18], [sflag:$0x5], $0x80, $0x38;
	[tilespmem:$0x1D000] =	vst v63  }
0x9d: {  	s2 =	sadd.s32 $0x70, s11;
	s13 =	sadd.s32 $0x30, s11;
	s10 =	simm.s32 $0x440  }
0x9e: {  	[hbm4b:s13+s3] =	stream.linear.scatter [tilespmem:s12], [sflag:$0x5], $0x80, $0x38;
	[tilespmem:$0x1D000] =	vst v63  }
0x9f: {  	s18 =	simm.s32 $0x14A20;
	s20 =	sadd.s32 $0x40, s11;
	s12 =	simm.s32 $0x14AA8  }
0xa0: {  	[hbm4b:s20+s3] =	stream.linear.scatter [tilespmem:s18], [sflag:$0x5], $0x80, $0x38;
	[tilespmem:$0x1D000] =	vst v63  }
0xa1: {  	s13 =	sadd.s32 $0x50, s11;
	s18 =	simm.s32 $0x14B30;
	s20 =	sadd.s32 $0x60, s11  }
0xa2: {  	[hbm4b:s13+s3] =	stream.linear.scatter [tilespmem:s12], [sflag:$0x5], $0x80, $0x38;
	[tilespmem:$0x1D000] =	vst v63  }
0xa3: {  	s11 =	sadd.s32 $0x1000, s11;
	s12 =	simm.s32 $0x2200;
	s13 =	simm.s32 $0x14BB8  }
0xa4: {  	[hbm4b:s20+s3] =	stream.linear.scatter [tilespmem:s18], [sflag:$0x5], $0x80, $0x38;
	[tilespmem:$0x1D000] =	vst v63  }
.LBB2_7:
0xa5: {  	[hbm4b:s2+s3] =	stream.linear.scatter [tilespmem:s13], [sflag:$0x5], $0x80, $0x38;
	[tilespmem:$0x1D000] =	vst v63  }
0xa6: {  	s2 =	smov.u32 s10;
	s10 =	smov.u32 s12  }
0xa7: {  	s18 =	sadd.s32 $0x1100, s12;
	s10 =	sshra.s32 s10, $0x2;
	s13 =	sadd.s32 $0x14800, s2  }
0xa8: {  	[hbm4b:s11+s3] =	stream.linear.scatter [tilespmem:s13], [sflag:$0x5], $0x80, $0x38;
	[tilespmem:$0x1D000] =	vst v63  }
0xa9: {  	p0 =	sne.s32 s12, $0x7700;
	s12 =	sadd.s32 $0x14888, s2;
	s13 =	sadd.s32 $0x10, s11  }
0xaa: {  	[hbm4b:s13+s3] =	stream.linear.scatter [tilespmem:s12], [sflag:$0x5], $0x80, $0x38;
	[tilespmem:$0x1D000] =	vst v63  }
0xab: {  	s12 =	sadd.s32 $0x14910, s2;
	s13 =	sadd.s32 $0x20, s11  }
0xac: {  	[hbm4b:s13+s3] =	stream.linear.scatter [tilespmem:s12], [sflag:$0x5], $0x80, $0x38;
	[tilespmem:$0x1D000] =	vst v63  }
0xad: {  	s12 =	sadd.s32 $0x14998, s2;
	s13 =	sadd.s32 $0x30, s11  }
0xae: {  	[hbm4b:s13+s3] =	stream.linear.scatter [tilespmem:s12], [sflag:$0x5], $0x80, $0x38;
	[tilespmem:$0x1D000] =	vst v63  }
0xaf: {  	s12 =	sadd.s32 $0x14A20, s2;
	s13 =	sadd.s32 $0x40, s11  }
0xb0: {  	[hbm4b:s13+s3] =	stream.linear.scatter [tilespmem:s12], [sflag:$0x5], $0x80, $0x38;
	[tilespmem:$0x1D000] =	vst v63  }
0xb1: {  	s12 =	sadd.s32 $0x14AA8, s2;
	s13 =	sadd.s32 $0x50, s11  }
0xb2: {  	[hbm4b:s13+s3] =	stream.linear.scatter [tilespmem:s12], [sflag:$0x5], $0x80, $0x38;
	[tilespmem:$0x1D000] =	vst v63  }
.Ltmp2:
0xb3: {  	_ = 	snop;
	(pc) =	sbr.rel @p0 .LBB2_7-.Ltmp2, $4  }
0xb4: {  	s12 =	sadd.s32 $0x14B30, s2;
	s13 =	sadd.s32 $0x60, s11  }
0xb5: {  	[hbm4b:s13+s3] =	stream.linear.scatter [tilespmem:s12], [sflag:$0x5], $0x80, $0x38;
	[tilespmem:$0x1D000] =	vst v63  }
0xb6: {  	s13 =	sadd.s32 $0x14BB8, s2  }
0xb7: {  	s2 =	sadd.s32 $0x70, s11;
	s11 =	sadd.s32 $0x1000, s11;
	s12 =	smov.u32 s18  }
0xb8: {  	[hbm4b:s2+s3] =	stream.linear.scatter [tilespmem:s13], [sflag:$0x5], $0x80, $0x38;
	[tilespmem:$0x1D000] =	vst v63  }
0xb9: {  	s12 =	sadd.s32 $0x14800, s10  }
0xba: {  	[hbm4b:s11+s3] =	stream.linear.scatter [tilespmem:s12], [sflag:$0x5], $0x80, $0x38;
	[tilespmem:$0x1D000] =	vst v63  }
0xbb: {  	s13 =	sadd.s32 $0x14888, s10;
	s12 =	sadd.s32 $0x10, s11  }
0xbc: {  	[hbm4b:s12+s3] =	stream.linear.scatter [tilespmem:s13], [sflag:$0x5], $0x80, $0x38;
	[tilespmem:$0x1D000] =	vst v63  }
0xbd: {  	s18 =	sadd.s32 $0x14910, s10;
	s20 =	sadd.s32 $0x20, s11  }
0xbe: {  	[hbm4b:s20+s3] =	stream.linear.scatter [tilespmem:s18], [sflag:$0x5], $0x80, $0x38;
	[tilespmem:$0x1D000] =	vst v63  }
0xbf: {  	s12 =	sadd.s32 $0x14998, s10;
	s13 =	sadd.s32 $0x30, s11  }
0xc0: {  	[hbm4b:s13+s3] =	stream.linear.scatter [tilespmem:s12], [sflag:$0x5], $0x80, $0x38;
	[tilespmem:$0x1D000] =	vst v63  }
0xc1: {  	s18 =	sadd.s32 $0x14A20, s10;
	s20 =	sadd.s32 $0x40, s11  }
0xc2: {  	[hbm4b:s20+s3] =	stream.linear.scatter [tilespmem:s18], [sflag:$0x5], $0x80, $0x38;
	[tilespmem:$0x1D000] =	vst v63  }
0xc3: {  	s12 =	sadd.s32 $0x14AA8, s10;
	s13 =	sadd.s32 $0x50, s11  }
0xc4: {  	[hbm4b:s13+s3] =	stream.linear.scatter [tilespmem:s12], [sflag:$0x5], $0x80, $0x38;
	[tilespmem:$0x1D000] =	vst v63  }
0xc5: {  	s18 =	sadd.s32 $0x14B30, s10;
	s20 =	sadd.s32 $0x60, s11  }
0xc6: {  	[hbm4b:s20+s3] =	stream.linear.scatter [tilespmem:s18], [sflag:$0x5], $0x80, $0x38;
	[tilespmem:$0x1D000] =	vst v63  }
0xc7: {  	s10 =	sadd.s32 $0x14BB8, s10;
	s12 =	sadd.s32 $0x70, s11;
	s13 =	sshll.u32 s15, $0x9  }
0xc8: {  	[hbm4b:s12+s3] =	stream.linear.scatter [tilespmem:s10], [sflag:$0x5], $0x80, $0x38;
	[tilespmem:$0x1D000] =	vst v63  }
0xc9: {  	s10 =	sand.u32 $0x3FFFFE00, s13  }
0xca: {  	s18 =	simm.s32 $0xC800;
	s2 =	sadd.s32 $0x6600, s10  }
0xcb: {  	[tilespmem:s18], [sflag:$0x1] =	stream.indirect.gather [hbm4b:s4+s16], $0x40, s2, s16, $0xb8;
	[tilespmem:$0x1D000] =	vst v63  }
0xcc: {  	_ =	swait.ge [sflag:s28], $0x2000  }
0xcd: {  	[sflag:s28] =	ssyncset.done $0x0  }
0xce: {  	s11 =	simm.s32 $0xE820;
	s20 =	simm.s32 $0x0;
	[sflag:s28] =	ssyncadd.s32 $0xFFFFE000  }
0xcf: {  	v12 =	vmov s20;
	v13 =	vld [tilespmem:s11+$0xFFFFFFE0]  }
0xd0: {  	v12 =	vand.u32 $0x7F, v12  }
0xd1: {  	v14 =	vadd.s32 v5, v12;
	_ =	sdelay $0x2  }
0xd2: {  	v13 =	vmul.f32 $8.000000000e+00, v13;
	_ =	sdelay $0x1  }
0xd3: {  	[tilespmem:v14+s29+$0x0] =	vst.idx.msk $0xffff, v13  }
0xd4: {  	v13 =	vld [tilespmem:s11+$0xFFFFFFF0];
	_ =	sdelay $0x1  }
0xd5: {  	v14 =	vadd.s32 v9, v12;
	_ =	sdelay $0x2  }
0xd6: {  	v13 =	vmul.f32 $8.000000000e+00, v13;
	_ =	sdelay $0x1  }
0xd7: {  	[tilespmem:v14+s29+$0x0] =	vst.idx.msk $0xffff, v13  }
0xd8: {  	v13 =	vld [tilespmem:s11+$0x0];
	_ =	sdelay $0x1  }
0xd9: {  	v14 =	vadd.s32 v10, v12;
	_ =	sdelay $0x2  }
0xda: {  	v13 =	vmul.f32 $8.000000000e+00, v13;
	_ =	sdelay $0x1  }
0xdb: {  	[tilespmem:v14+s29+$0x0] =	vst.idx.msk $0xffff, v13  }
0xdc: {  	v13 =	vld [tilespmem:s11+$0x10];
	_ =	sdelay $0x1  }
0xdd: {  	v12 =	vadd.s32 v11, v12;
	_ =	sdelay $0x2  }
0xde: {  	s12 =	simm.s32 $0x1;
	v13 =	vmul.f32 $8.000000000e+00, v13  }
.LBB2_9:
0xdf: {  	p0 =	sne.s32 s12, $0x7F  }
0xe0: {  	s11 =	sadd.s32 $0x40, s11;
	s2 =	smov.u32 s12;
	s12 =	sadd.s32 $0x1, s12;
	[tilespmem:v12+s29+$0x0] =	vst.idx.msk $0xffff, v13  }
0xe1: {  	v12 =	vmov s2;
	v13 =	vld [tilespmem:s11+$0xFFFFFFE0]  }
0xe2: {  	v12 =	vand.u32 $0x7F, v12  }
0xe3: {  	v14 =	vadd.s32 v5, v12;
	_ =	sdelay $0x2  }
0xe4: {  	v13 =	vmul.f32 $8.000000000e+00, v13;
	_ =	sdelay $0x1  }
0xe5: {  	[tilespmem:v14+s29+$0x0] =	vst.idx.msk $0xffff, v13  }
0xe6: {  	v13 =	vld [tilespmem:s11+$0xFFFFFFF0];
	_ =	sdelay $0x1  }
0xe7: {  	v14 =	vadd.s32 v9, v12;
	_ =	sdelay $0x2  }
0xe8: {  	v13 =	vmul.f32 $8.000000000e+00, v13;
	_ =	sdelay $0x1  }
0xe9: {  	[tilespmem:v14+s29+$0x0] =	vst.idx.msk $0xffff, v13  }
0xea: {  	v13 =	vld [tilespmem:s11+$0x0];
	_ =	sdelay $0x1  }
0xeb: {  	v14 =	vadd.s32 v10, v12;
	_ =	sdelay $0x2  }
0xec: {  	v13 =	vmul.f32 $8.000000000e+00, v13;
	_ =	sdelay $0x1  }
0xed: {  	[tilespmem:v14+s29+$0x0] =	vst.idx.msk $0xffff, v13  }
0xee: {  	v13 =	vld [tilespmem:s11+$0x10]  }
.Ltmp3:
0xef: {  	(pc) =	sbr.rel @p0 .LBB2_9-.Ltmp3, $2  }
0xf0: {  	v12 =	vadd.s32 v11, v12;
	_ =	sdelay $0x2  }
0xf1: {  	v13 =	vmul.f32 $8.000000000e+00, v13  }
0xf2: {  	_ =	sdelay $0x3  }
0xf3: {  	s12 =	sadd.s32 s6, s7;
	s2 =	simm.s32 $0x16A00;
	[tilespmem:v12+s29+$0x0] =	vst.idx.msk $0xffff, v13  }
0xf4: {  	[hbm4b:s12+s3] =	stream.linear.scatter [tilespmem:s2], [sflag:$0x6], $0x80, $0x38;
	[tilespmem:$0x1D000] =	vst v63  }
0xf5: {  	s13 =	simm.s32 $0x16A88;
	s11 =	sadd.s32 $0x10, s12  }
0xf6: {  	[hbm4b:s11+s3] =	stream.linear.scatter [tilespmem:s13], [sflag:$0x6], $0x80, $0x38;
	[tilespmem:$0x1D000] =	vst v63  }
0xf7: {  	s18 =	simm.s32 $0x16B10;
	s20 =	sadd.s32 $0x20, s12  }
0xf8: {  	[hbm4b:s20+s3] =	stream.linear.scatter [tilespmem:s18], [sflag:$0x6], $0x80, $0x38;
	[tilespmem:$0x1D000] =	vst v63  }
0xf9: {  	s11 =	simm.s32 $0x16B98;
	s13 =	sadd.s32 $0x30, s12  }
0xfa: {  	[hbm4b:s13+s3] =	stream.linear.scatter [tilespmem:s11], [sflag:$0x6], $0x80, $0x38;
	[tilespmem:$0x1D000] =	vst v63  }
0xfb: {  	s18 =	simm.s32 $0x16C20;
	s20 =	sadd.s32 $0x40, s12  }
0xfc: {  	[hbm4b:s20+s3] =	stream.linear.scatter [tilespmem:s18], [sflag:$0x6], $0x80, $0x38;
	[tilespmem:$0x1D000] =	vst v63  }
0xfd: {  	s2 =	simm.s32 $0x16DB8;
	s11 =	simm.s32 $0x16CA8;
	s13 =	sadd.s32 $0x50, s12  }
0xfe: {  	[hbm4b:s13+s3] =	stream.linear.scatter [tilespmem:s11], [sflag:$0x6], $0x80, $0x38;
	[tilespmem:$0x1D000] =	vst v63  }
0xff: {  	s18 =	simm.s32 $0x16D30;
	s20 =	sadd.s32 $0x60, s12;
	s11 =	simm.s32 $0x440  }
0x100: {  	[hbm4b:s20+s3] =	stream.linear.scatter [tilespmem:s18], [sflag:$0x6], $0x80, $0x38;
	[tilespmem:$0x1D000] =	vst v63  }
0x101: {  	s13 =	simm.s32 $0x2200;
	s18 =	sadd.s32 $0x70, s12;
	s12 =	sadd.s32 $0x1000, s12  }
.LBB2_11:
0x102: {  	[hbm4b:s18+s3] =	stream.linear.scatter [tilespmem:s2], [sflag:$0x6], $0x80, $0x38;
	[tilespmem:$0x1D000] =	vst v63  }
0x103: {  	s2 =	smov.u32 s11;
	s11 =	smov.u32 s13  }
0x104: {  	s20 =	sadd.s32 $0x1100, s13;
	s11 =	sshra.s32 s11, $0x2;
	s18 =	sadd.s32 $0x16A00, s2  }
0x105: {  	[hbm4b:s12+s3] =	stream.linear.scatter [tilespmem:s18], [sflag:$0x6], $0x80, $0x38;
	[tilespmem:$0x1D000] =	vst v63  }
0x106: {  	p0 =	sne.s32 s13, $0x7700;
	s13 =	sadd.s32 $0x16A88, s2;
	s18 =	sadd.s32 $0x10, s12  }
0x107: {  	[hbm4b:s18+s3] =	stream.linear.scatter [tilespmem:s13], [sflag:$0x6], $0x80, $0x38;
	[tilespmem:$0x1D000] =	vst v63  }
0x108: {  	s13 =	sadd.s32 $0x16B10, s2;
	s18 =	sadd.s32 $0x20, s12  }
0x109: {  	[hbm4b:s18+s3] =	stream.linear.scatter [tilespmem:s13], [sflag:$0x6], $0x80, $0x38;
	[tilespmem:$0x1D000] =	vst v63  }
0x10a: {  	s13 =	sadd.s32 $0x16B98, s2;
	s18 =	sadd.s32 $0x30, s12  }
0x10b: {  	[hbm4b:s18+s3] =	stream.linear.scatter [tilespmem:s13], [sflag:$0x6], $0x80, $0x38;
	[tilespmem:$0x1D000] =	vst v63  }
0x10c: {  	s13 =	sadd.s32 $0x16C20, s2;
	s18 =	sadd.s32 $0x40, s12  }
0x10d: {  	[hbm4b:s18+s3] =	stream.linear.scatter [tilespmem:s13], [sflag:$0x6], $0x80, $0x38;
	[tilespmem:$0x1D000] =	vst v63  }
.Ltmp4:
0x10e: {  	s13 =	sadd.s32 $0x16CA8, s2;
	s18 =	sadd.s32 $0x50, s12;
	(pc) =	sbr.rel @p0 .LBB2_11-.Ltmp4, $4  }
0x10f: {  	[hbm4b:s18+s3] =	stream.linear.scatter [tilespmem:s13], [sflag:$0x6], $0x80, $0x38;
	[tilespmem:$0x1D000] =	vst v63  }
0x110: {  	s13 =	sadd.s32 $0x16D30, s2;
	s18 =	sadd.s32 $0x60, s12;
	s2 =	sadd.s32 $0x16DB8, s2  }
0x111: {  	[hbm4b:s18+s3] =	stream.linear.scatter [tilespmem:s13], [sflag:$0x6], $0x80, $0x38;
	[tilespmem:$0x1D000] =	vst v63  }
0x112: {  	s18 =	sadd.s32 $0x70, s12;
	s12 =	sadd.s32 $0x1000, s12;
	s13 =	smov.u32 s20  }
0x113: {  	[hbm4b:s18+s3] =	stream.linear.scatter [tilespmem:s2], [sflag:$0x6], $0x80, $0x38;
	[tilespmem:$0x1D000] =	vst v63  }
0x114: {  	s18 =	sadd.s32 $0x16A00, s11  }
0x115: {  	[hbm4b:s12+s3] =	stream.linear.scatter [tilespmem:s18], [sflag:$0x6], $0x80, $0x38;
	[tilespmem:$0x1D000] =	vst v63  }
0x116: {  	s20 =	sadd.s32 $0x16A88, s11;
	s13 =	sadd.s32 $0x10, s12  }
0x117: {  	[hbm4b:s13+s3] =	stream.linear.scatter [tilespmem:s20], [sflag:$0x6], $0x80, $0x38;
	[tilespmem:$0x1D000] =	vst v63  }
0x118: {  	s18 =	sadd.s32 $0x16B10, s11;
	s20 =	sadd.s32 $0x20, s12  }
0x119: {  	[hbm4b:s20+s3] =	stream.linear.scatter [tilespmem:s18], [sflag:$0x6], $0x80, $0x38;
	[tilespmem:$0x1D000] =	vst v63  }
0x11a: {  	s18 =	sadd.s32 $0x16B98, s11;
	s20 =	sadd.s32 $0x30, s12  }
0x11b: {  	[hbm4b:s20+s3] =	stream.linear.scatter [tilespmem:s18], [sflag:$0x6], $0x80, $0x38;
	[tilespmem:$0x1D000] =	vst v63  }
0x11c: {  	s18 =	sadd.s32 $0x16C20, s11;
	s20 =	sadd.s32 $0x40, s12  }
0x11d: {  	[hbm4b:s20+s3] =	stream.linear.scatter [tilespmem:s18], [sflag:$0x6], $0x80, $0x38;
	[tilespmem:$0x1D000] =	vst v63  }
0x11e: {  	s18 =	sadd.s32 $0x16CA8, s11;
	s20 =	sadd.s32 $0x50, s12  }
0x11f: {  	[hbm4b:s20+s3] =	stream.linear.scatter [tilespmem:s18], [sflag:$0x6], $0x80, $0x38;
	[tilespmem:$0x1D000] =	vst v63  }
0x120: {  	s18 =	sadd.s32 $0x16D30, s11;
	s20 =	sadd.s32 $0x60, s12  }
0x121: {  	[hbm4b:s20+s3] =	stream.linear.scatter [tilespmem:s18], [sflag:$0x6], $0x80, $0x38;
	[tilespmem:$0x1D000] =	vst v63  }
0x122: {  	s11 =	sadd.s32 $0x16DB8, s11;
	s12 =	sadd.s32 $0x70, s12  }
0x123: {  	[hbm4b:s12+s3] =	stream.linear.scatter [tilespmem:s11], [sflag:$0x6], $0x80, $0x38;
	[tilespmem:$0x1D000] =	vst v63  }
0x124: {  	s13 =	sadd.s32 $0x6680, s10;
	s18 =	simm.s32 $0xE800  }
0x125: {  	[tilespmem:s18], [sflag:$0x2] =	stream.indirect.gather [hbm4b:s4+s16], $0x40, s13, s16, $0xb8;
	[tilespmem:$0x1D000] =	vst v63  }
0x126: {  	_ =	swait.ge [sflag:s30], $0x2000  }
0x127: {  	[sflag:s30] =	ssyncset.done $0x0  }
0x128: {  	s20 =	simm.s32 $0x0;
	s11 =	simm.s32 $0x10820;
	[sflag:s30] =	ssyncadd.s32 $0xFFFFE000  }
0x129: {  	v12 =	vmov s20;
	v13 =	vld [tilespmem:s11+$0xFFFFFFE0]  }
0x12a: {  	v12 =	vand.u32 $0x7F, v12  }
0x12b: {  	v14 =	vadd.s32 v5, v12;
	_ =	sdelay $0x2  }
0x12c: {  	v13 =	vmul.f32 $8.000000000e+00, v13;
	_ =	sdelay $0x1  }
0x12d: {  	[tilespmem:v14+s31+$0x0] =	vst.idx.msk $0xffff, v13  }
0x12e: {  	v13 =	vld [tilespmem:s11+$0xFFFFFFF0];
	_ =	sdelay $0x1  }
0x12f: {  	v14 =	vadd.s32 v9, v12;
	_ =	sdelay $0x2  }
0x130: {  	v13 =	vmul.f32 $8.000000000e+00, v13;
	_ =	sdelay $0x1  }
0x131: {  	[tilespmem:v14+s31+$0x0] =	vst.idx.msk $0xffff, v13  }
0x132: {  	v13 =	vld [tilespmem:s11+$0x0];
	_ =	sdelay $0x1  }
0x133: {  	v14 =	vadd.s32 v10, v12;
	_ =	sdelay $0x2  }
0x134: {  	v13 =	vmul.f32 $8.000000000e+00, v13;
	_ =	sdelay $0x1  }
0x135: {  	[tilespmem:v14+s31+$0x0] =	vst.idx.msk $0xffff, v13  }
0x136: {  	v13 =	vld [tilespmem:s11+$0x10];
	_ =	sdelay $0x1  }
0x137: {  	v12 =	vadd.s32 v11, v12;
	_ =	sdelay $0x2  }
0x138: {  	s12 =	simm.s32 $0x1;
	v13 =	vmul.f32 $8.000000000e+00, v13  }
.LBB2_13:
0x139: {  	p0 =	sne.s32 s12, $0x7F  }
0x13a: {  	s11 =	sadd.s32 $0x40, s11;
	s2 =	smov.u32 s12;
	s12 =	sadd.s32 $0x1, s12;
	[tilespmem:v12+s31+$0x0] =	vst.idx.msk $0xffff, v13  }
0x13b: {  	v12 =	vmov s2;
	v13 =	vld [tilespmem:s11+$0xFFFFFFE0]  }
0x13c: {  	v12 =	vand.u32 $0x7F, v12  }
0x13d: {  	v14 =	vadd.s32 v5, v12;
	_ =	sdelay $0x2  }
0x13e: {  	v13 =	vmul.f32 $8.000000000e+00, v13;
	_ =	sdelay $0x1  }
0x13f: {  	[tilespmem:v14+s31+$0x0] =	vst.idx.msk $0xffff, v13  }
0x140: {  	v13 =	vld [tilespmem:s11+$0xFFFFFFF0];
	_ =	sdelay $0x1  }
0x141: {  	v14 =	vadd.s32 v9, v12;
	_ =	sdelay $0x2  }
0x142: {  	v13 =	vmul.f32 $8.000000000e+00, v13;
	_ =	sdelay $0x1  }
0x143: {  	[tilespmem:v14+s31+$0x0] =	vst.idx.msk $0xffff, v13  }
0x144: {  	v13 =	vld [tilespmem:s11+$0x0];
	_ =	sdelay $0x1  }
0x145: {  	v14 =	vadd.s32 v10, v12;
	_ =	sdelay $0x2  }
0x146: {  	v13 =	vmul.f32 $8.000000000e+00, v13;
	_ =	sdelay $0x1  }
0x147: {  	[tilespmem:v14+s31+$0x0] =	vst.idx.msk $0xffff, v13  }
0x148: {  	v13 =	vld [tilespmem:s11+$0x10]  }
.Ltmp5:
0x149: {  	(pc) =	sbr.rel @p0 .LBB2_13-.Ltmp5, $2  }
0x14a: {  	v12 =	vadd.s32 v11, v12;
	_ =	sdelay $0x2  }
0x14b: {  	v13 =	vmul.f32 $8.000000000e+00, v13  }
0x14c: {  	_ =	sdelay $0x3  }
0x14d: {  	s12 =	sadd.s32 s6, s8;
	s2 =	simm.s32 $0x18C00;
	[tilespmem:v12+s31+$0x0] =	vst.idx.msk $0xffff, v13  }
0x14e: {  	[hbm4b:s12+s3] =	stream.linear.scatter [tilespmem:s2], [sflag:$0x7], $0x80, $0x38;
	[tilespmem:$0x1D000] =	vst v63  }
0x14f: {  	s13 =	simm.s32 $0x18C88;
	s11 =	sadd.s32 $0x10, s12  }
0x150: {  	[hbm4b:s11+s3] =	stream.linear.scatter [tilespmem:s13], [sflag:$0x7], $0x80, $0x38;
	[tilespmem:$0x1D000] =	vst v63  }
0x151: {  	s18 =	simm.s32 $0x18D10;
	s20 =	sadd.s32 $0x20, s12  }
0x152: {  	[hbm4b:s20+s3] =	stream.linear.scatter [tilespmem:s18], [sflag:$0x7], $0x80, $0x38;
	[tilespmem:$0x1D000] =	vst v63  }
0x153: {  	s11 =	simm.s32 $0x18D98;
	s13 =	sadd.s32 $0x30, s12  }
0x154: {  	[hbm4b:s13+s3] =	stream.linear.scatter [tilespmem:s11], [sflag:$0x7], $0x80, $0x38;
	[tilespmem:$0x1D000] =	vst v63  }
0x155: {  	s18 =	simm.s32 $0x18E20;
	s20 =	sadd.s32 $0x40, s12  }
0x156: {  	[hbm4b:s20+s3] =	stream.linear.scatter [tilespmem:s18], [sflag:$0x7], $0x80, $0x38;
	[tilespmem:$0x1D000] =	vst v63  }
0x157: {  	s2 =	simm.s32 $0x18FB8;
	s11 =	simm.s32 $0x18EA8;
	s13 =	sadd.s32 $0x50, s12  }
0x158: {  	[hbm4b:s13+s3] =	stream.linear.scatter [tilespmem:s11], [sflag:$0x7], $0x80, $0x38;
	[tilespmem:$0x1D000] =	vst v63  }
0x159: {  	s18 =	simm.s32 $0x18F30;
	s20 =	sadd.s32 $0x60, s12;
	s11 =	simm.s32 $0x440  }
0x15a: {  	[hbm4b:s20+s3] =	stream.linear.scatter [tilespmem:s18], [sflag:$0x7], $0x80, $0x38;
	[tilespmem:$0x1D000] =	vst v63  }
0x15b: {  	s13 =	simm.s32 $0x2200;
	s18 =	sadd.s32 $0x70, s12;
	s12 =	sadd.s32 $0x1000, s12  }
.LBB2_15:
0x15c: {  	[hbm4b:s18+s3] =	stream.linear.scatter [tilespmem:s2], [sflag:$0x7], $0x80, $0x38;
	[tilespmem:$0x1D000] =	vst v63  }
0x15d: {  	s2 =	smov.u32 s11;
	s11 =	smov.u32 s13  }
0x15e: {  	s20 =	sadd.s32 $0x1100, s13;
	s11 =	sshra.s32 s11, $0x2;
	s18 =	sadd.s32 $0x18C00, s2  }
0x15f: {  	[hbm4b:s12+s3] =	stream.linear.scatter [tilespmem:s18], [sflag:$0x7], $0x80, $0x38;
	[tilespmem:$0x1D000] =	vst v63  }
0x160: {  	p0 =	sne.s32 s13, $0x7700;
	s13 =	sadd.s32 $0x18C88, s2;
	s18 =	sadd.s32 $0x10, s12  }
0x161: {  	[hbm4b:s18+s3] =	stream.linear.scatter [tilespmem:s13], [sflag:$0x7], $0x80, $0x38;
	[tilespmem:$0x1D000] =	vst v63  }
0x162: {  	s13 =	sadd.s32 $0x18D10, s2;
	s18 =	sadd.s32 $0x20, s12  }
0x163: {  	[hbm4b:s18+s3] =	stream.linear.scatter [tilespmem:s13], [sflag:$0x7], $0x80, $0x38;
	[tilespmem:$0x1D000] =	vst v63  }
0x164: {  	s13 =	sadd.s32 $0x18D98, s2;
	s18 =	sadd.s32 $0x30, s12  }
0x165: {  	[hbm4b:s18+s3] =	stream.linear.scatter [tilespmem:s13], [sflag:$0x7], $0x80, $0x38;
	[tilespmem:$0x1D000] =	vst v63  }
0x166: {  	s13 =	sadd.s32 $0x18E20, s2;
	s18 =	sadd.s32 $0x40, s12  }
0x167: {  	[hbm4b:s18+s3] =	stream.linear.scatter [tilespmem:s13], [sflag:$0x7], $0x80, $0x38;
	[tilespmem:$0x1D000] =	vst v63  }
.Ltmp6:
0x168: {  	s13 =	sadd.s32 $0x18EA8, s2;
	s18 =	sadd.s32 $0x50, s12;
	(pc) =	sbr.rel @p0 .LBB2_15-.Ltmp6, $4  }
0x169: {  	[hbm4b:s18+s3] =	stream.linear.scatter [tilespmem:s13], [sflag:$0x7], $0x80, $0x38;
	[tilespmem:$0x1D000] =	vst v63  }
0x16a: {  	s13 =	sadd.s32 $0x18F30, s2;
	s18 =	sadd.s32 $0x60, s12;
	s2 =	sadd.s32 $0x18FB8, s2  }
0x16b: {  	[hbm4b:s18+s3] =	stream.linear.scatter [tilespmem:s13], [sflag:$0x7], $0x80, $0x38;
	[tilespmem:$0x1D000] =	vst v63  }
0x16c: {  	s18 =	sadd.s32 $0x70, s12;
	s12 =	sadd.s32 $0x1000, s12;
	s13 =	smov.u32 s20  }
0x16d: {  	[hbm4b:s18+s3] =	stream.linear.scatter [tilespmem:s2], [sflag:$0x7], $0x80, $0x38;
	[tilespmem:$0x1D000] =	vst v63  }
0x16e: {  	s18 =	sadd.s32 $0x18C00, s11  }
0x16f: {  	[hbm4b:s12+s3] =	stream.linear.scatter [tilespmem:s18], [sflag:$0x7], $0x80, $0x38;
	[tilespmem:$0x1D000] =	vst v63  }
0x170: {  	s20 =	sadd.s32 $0x18C88, s11;
	s13 =	sadd.s32 $0x10, s12  }
0x171: {  	[hbm4b:s13+s3] =	stream.linear.scatter [tilespmem:s20], [sflag:$0x7], $0x80, $0x38;
	[tilespmem:$0x1D000] =	vst v63  }
0x172: {  	s18 =	sadd.s32 $0x18D10, s11;
	s20 =	sadd.s32 $0x20, s12  }
0x173: {  	[hbm4b:s20+s3] =	stream.linear.scatter [tilespmem:s18], [sflag:$0x7], $0x80, $0x38;
	[tilespmem:$0x1D000] =	vst v63  }
0x174: {  	s18 =	sadd.s32 $0x18D98, s11;
	s20 =	sadd.s32 $0x30, s12  }
0x175: {  	[hbm4b:s20+s3] =	stream.linear.scatter [tilespmem:s18], [sflag:$0x7], $0x80, $0x38;
	[tilespmem:$0x1D000] =	vst v63  }
0x176: {  	s18 =	sadd.s32 $0x18E20, s11;
	s20 =	sadd.s32 $0x40, s12  }
0x177: {  	[hbm4b:s20+s3] =	stream.linear.scatter [tilespmem:s18], [sflag:$0x7], $0x80, $0x38;
	[tilespmem:$0x1D000] =	vst v63  }
0x178: {  	s18 =	sadd.s32 $0x18EA8, s11;
	s20 =	sadd.s32 $0x50, s12  }
0x179: {  	[hbm4b:s20+s3] =	stream.linear.scatter [tilespmem:s18], [sflag:$0x7], $0x80, $0x38;
	[tilespmem:$0x1D000] =	vst v63  }
0x17a: {  	s18 =	sadd.s32 $0x18F30, s11;
	s20 =	sadd.s32 $0x60, s12  }
0x17b: {  	[hbm4b:s20+s3] =	stream.linear.scatter [tilespmem:s18], [sflag:$0x7], $0x80, $0x38;
	[tilespmem:$0x1D000] =	vst v63  }
0x17c: {  	s13 =	sadd.s32 $0x70, s12;
	s11 =	sadd.s32 $0x18FB8, s11  }
0x17d: {  	[hbm4b:s13+s3] =	stream.linear.scatter [tilespmem:s11], [sflag:$0x7], $0x80, $0x38;
	[tilespmem:$0x1D000] =	vst v63  }
0x17e: {  	s18 =	sadd.s32 $0x6700, s10  }
0x17f: {  	[tilespmem:s22], [sflag:$0x3] =	stream.indirect.gather [hbm4b:s4+s16], $0x40, s18, s16, $0xb8;
	[tilespmem:$0x1D000] =	vst v63  }
0x180: {  	_ =	swait.ge [sflag:s1], $0x2000  }
0x181: {  	[sflag:s1] =	ssyncset.done $0x0  }
0x182: {  	s20 =	simm.s32 $0x0;
	s11 =	simm.s32 $0x12820;
	[sflag:s1] =	ssyncadd.s32 $0xFFFFE000  }
0x183: {  	v12 =	vmov s20;
	v13 =	vld [tilespmem:s11+$0xFFFFFFE0]  }
0x184: {  	v12 =	vand.u32 $0x7F, v12  }
0x185: {  	v14 =	vadd.s32 v5, v12;
	_ =	sdelay $0x2  }
0x186: {  	v13 =	vmul.f32 $8.000000000e+00, v13;
	_ =	sdelay $0x1  }
0x187: {  	[tilespmem:v14+s0+$0x0] =	vst.idx.msk $0xffff, v13  }
0x188: {  	v13 =	vld [tilespmem:s11+$0xFFFFFFF0];
	_ =	sdelay $0x1  }
0x189: {  	v14 =	vadd.s32 v9, v12;
	_ =	sdelay $0x2  }
0x18a: {  	v13 =	vmul.f32 $8.000000000e+00, v13;
	_ =	sdelay $0x1  }
0x18b: {  	[tilespmem:v14+s0+$0x0] =	vst.idx.msk $0xffff, v13  }
0x18c: {  	v13 =	vld [tilespmem:s11+$0x0];
	_ =	sdelay $0x1  }
0x18d: {  	v14 =	vadd.s32 v10, v12;
	_ =	sdelay $0x2  }
0x18e: {  	v13 =	vmul.f32 $8.000000000e+00, v13;
	_ =	sdelay $0x1  }
0x18f: {  	[tilespmem:v14+s0+$0x0] =	vst.idx.msk $0xffff, v13  }
0x190: {  	v13 =	vld [tilespmem:s11+$0x10];
	_ =	sdelay $0x1  }
0x191: {  	v12 =	vadd.s32 v11, v12;
	_ =	sdelay $0x2  }
0x192: {  	s12 =	simm.s32 $0x1;
	v13 =	vmul.f32 $8.000000000e+00, v13  }
.LBB2_17:
0x193: {  	p0 =	sne.s32 s12, $0x7F  }
0x194: {  	s11 =	sadd.s32 $0x40, s11;
	s2 =	smov.u32 s12;
	s12 =	sadd.s32 $0x1, s12;
	[tilespmem:v12+s0+$0x0] =	vst.idx.msk $0xffff, v13  }
0x195: {  	v12 =	vmov s2;
	v13 =	vld [tilespmem:s11+$0xFFFFFFE0]  }
0x196: {  	v12 =	vand.u32 $0x7F, v12  }
0x197: {  	v14 =	vadd.s32 v5, v12;
	_ =	sdelay $0x2  }
0x198: {  	v13 =	vmul.f32 $8.000000000e+00, v13;
	_ =	sdelay $0x1  }
0x199: {  	[tilespmem:v14+s0+$0x0] =	vst.idx.msk $0xffff, v13  }
0x19a: {  	v13 =	vld [tilespmem:s11+$0xFFFFFFF0];
	_ =	sdelay $0x1  }
0x19b: {  	v14 =	vadd.s32 v9, v12;
	_ =	sdelay $0x2  }
0x19c: {  	v13 =	vmul.f32 $8.000000000e+00, v13;
	_ =	sdelay $0x1  }
0x19d: {  	[tilespmem:v14+s0+$0x0] =	vst.idx.msk $0xffff, v13  }
0x19e: {  	v13 =	vld [tilespmem:s11+$0x0];
	_ =	sdelay $0x1  }
0x19f: {  	v14 =	vadd.s32 v10, v12;
	_ =	sdelay $0x2  }
0x1a0: {  	v13 =	vmul.f32 $8.000000000e+00, v13;
	_ =	sdelay $0x1  }
0x1a1: {  	[tilespmem:v14+s0+$0x0] =	vst.idx.msk $0xffff, v13  }
0x1a2: {  	v13 =	vld [tilespmem:s11+$0x10]  }
.Ltmp7:
0x1a3: {  	(pc) =	sbr.rel @p0 .LBB2_17-.Ltmp7, $2  }
0x1a4: {  	v12 =	vadd.s32 v11, v12;
	_ =	sdelay $0x2  }
0x1a5: {  	v13 =	vmul.f32 $8.000000000e+00, v13  }
0x1a6: {  	_ =	sdelay $0x3  }
0x1a7: {  	s11 =	sadd.s32 s6, s9;
	s2 =	simm.s32 $0x1AE00;
	[tilespmem:v12+s0+$0x0] =	vst.idx.msk $0xffff, v13  }
0x1a8: {  	[hbm4b:s11+s3] =	stream.linear.scatter [tilespmem:s2], [sflag:$0x8], $0x80, $0x38;
	[tilespmem:$0x1D000] =	vst v63  }
0x1a9: {  	s13 =	simm.s32 $0x1AE88;
	s6 =	sadd.s32 $0x10, s11  }
0x1aa: {  	[hbm4b:s6+s3] =	stream.linear.scatter [tilespmem:s13], [sflag:$0x8], $0x80, $0x38;
	[tilespmem:$0x1D000] =	vst v63  }
0x1ab: {  	s18 =	simm.s32 $0x1AF10;
	s12 =	simm.s32 $0x1AF98;
	s20 =	sadd.s32 $0x20, s11  }
0x1ac: {  	[hbm4b:s20+s3] =	stream.linear.scatter [tilespmem:s18], [sflag:$0x8], $0x80, $0x38;
	[tilespmem:$0x1D000] =	vst v63  }
0x1ad: {  	s2 =	simm.s32 $0x1B1B8;
	s13 =	sadd.s32 $0x30, s11;
	s6 =	simm.s32 $0x440  }
0x1ae: {  	[hbm4b:s13+s3] =	stream.linear.scatter [tilespmem:s12], [sflag:$0x8], $0x80, $0x38;
	[tilespmem:$0x1D000] =	vst v63  }
0x1af: {  	s18 =	simm.s32 $0x1B020;
	s20 =	sadd.s32 $0x40, s11;
	s12 =	simm.s32 $0x1B0A8  }
0x1b0: {  	[hbm4b:s20+s3] =	stream.linear.scatter [tilespmem:s18], [sflag:$0x8], $0x80, $0x38;
	[tilespmem:$0x1D000] =	vst v63  }
0x1b1: {  	s13 =	sadd.s32 $0x50, s11;
	s18 =	simm.s32 $0x1B130;
	s20 =	sadd.s32 $0x60, s11  }
0x1b2: {  	[hbm4b:s13+s3] =	stream.linear.scatter [tilespmem:s12], [sflag:$0x8], $0x80, $0x38;
	[tilespmem:$0x1D000] =	vst v63  }
0x1b3: {  	s12 =	simm.s32 $0x2200;
	s13 =	sadd.s32 $0x70, s11;
	s11 =	sadd.s32 $0x1000, s11  }
0x1b4: {  	[hbm4b:s20+s3] =	stream.linear.scatter [tilespmem:s18], [sflag:$0x8], $0x80, $0x38;
	[tilespmem:$0x1D000] =	vst v63  }
.LBB2_19:
0x1b5: {  	[hbm4b:s13+s3] =	stream.linear.scatter [tilespmem:s2], [sflag:$0x8], $0x80, $0x38;
	[tilespmem:$0x1D000] =	vst v63  }
0x1b6: {  	s2 =	smov.u32 s6;
	s6 =	smov.u32 s12  }
0x1b7: {  	s18 =	sadd.s32 $0x1100, s12;
	s6 =	sshra.s32 s6, $0x2;
	s13 =	sadd.s32 $0x1AE00, s2  }
0x1b8: {  	[hbm4b:s11+s3] =	stream.linear.scatter [tilespmem:s13], [sflag:$0x8], $0x80, $0x38;
	[tilespmem:$0x1D000] =	vst v63  }
0x1b9: {  	p0 =	sne.s32 s12, $0x7700;
	s12 =	sadd.s32 $0x1AE88, s2;
	s13 =	sadd.s32 $0x10, s11  }
0x1ba: {  	[hbm4b:s13+s3] =	stream.linear.scatter [tilespmem:s12], [sflag:$0x8], $0x80, $0x38;
	[tilespmem:$0x1D000] =	vst v63  }
0x1bb: {  	s12 =	sadd.s32 $0x1AF10, s2;
	s13 =	sadd.s32 $0x20, s11  }
0x1bc: {  	[hbm4b:s13+s3] =	stream.linear.scatter [tilespmem:s12], [sflag:$0x8], $0x80, $0x38;
	[tilespmem:$0x1D000] =	vst v63  }
0x1bd: {  	s12 =	sadd.s32 $0x1AF98, s2;
	s13 =	sadd.s32 $0x30, s11  }
0x1be: {  	[hbm4b:s13+s3] =	stream.linear.scatter [tilespmem:s12], [sflag:$0x8], $0x80, $0x38;
	[tilespmem:$0x1D000] =	vst v63  }
0x1bf: {  	s12 =	sadd.s32 $0x1B020, s2;
	s13 =	sadd.s32 $0x40, s11  }
0x1c0: {  	[hbm4b:s13+s3] =	stream.linear.scatter [tilespmem:s12], [sflag:$0x8], $0x80, $0x38;
	[tilespmem:$0x1D000] =	vst v63  }
.Ltmp8:
0x1c1: {  	s12 =	sadd.s32 $0x1B0A8, s2;
	s13 =	sadd.s32 $0x50, s11;
	(pc) =	sbr.rel @p0 .LBB2_19-.Ltmp8, $4  }
0x1c2: {  	[hbm4b:s13+s3] =	stream.linear.scatter [tilespmem:s12], [sflag:$0x8], $0x80, $0x38;
	[tilespmem:$0x1D000] =	vst v63  }
0x1c3: {  	s12 =	sadd.s32 $0x1B130, s2;
	s13 =	sadd.s32 $0x60, s11;
	s2 =	sadd.s32 $0x1B1B8, s2  }
0x1c4: {  	[hbm4b:s13+s3] =	stream.linear.scatter [tilespmem:s12], [sflag:$0x8], $0x80, $0x38;
	[tilespmem:$0x1D000] =	vst v63  }
0x1c5: {  	s13 =	sadd.s32 $0x70, s11;
	s11 =	sadd.s32 $0x1000, s11;
	s12 =	smov.u32 s18  }
0x1c6: {  	[hbm4b:s13+s3] =	stream.linear.scatter [tilespmem:s2], [sflag:$0x8], $0x80, $0x38;
	[tilespmem:$0x1D000] =	vst v63  }
0x1c7: {  	s12 =	sadd.s32 $0x1AE00, s6  }
0x1c8: {  	[hbm4b:s11+s3] =	stream.linear.scatter [tilespmem:s12], [sflag:$0x8], $0x80, $0x38;
	[tilespmem:$0x1D000] =	vst v63  }
0x1c9: {  	s13 =	sadd.s32 $0x1AE88, s6;
	s12 =	sadd.s32 $0x10, s11  }
0x1ca: {  	[hbm4b:s12+s3] =	stream.linear.scatter [tilespmem:s13], [sflag:$0x8], $0x80, $0x38;
	[tilespmem:$0x1D000] =	vst v63  }
0x1cb: {  	s18 =	sadd.s32 $0x1AF10, s6;
	s20 =	sadd.s32 $0x20, s11  }
0x1cc: {  	[hbm4b:s20+s3] =	stream.linear.scatter [tilespmem:s18], [sflag:$0x8], $0x80, $0x38;
	[tilespmem:$0x1D000] =	vst v63  }
0x1cd: {  	s12 =	sadd.s32 $0x1AF98, s6;
	s13 =	sadd.s32 $0x30, s11  }
0x1ce: {  	[hbm4b:s13+s3] =	stream.linear.scatter [tilespmem:s12], [sflag:$0x8], $0x80, $0x38;
	[tilespmem:$0x1D000] =	vst v63  }
0x1cf: {  	s18 =	sadd.s32 $0x1B020, s6;
	s20 =	sadd.s32 $0x40, s11  }
0x1d0: {  	[hbm4b:s20+s3] =	stream.linear.scatter [tilespmem:s18], [sflag:$0x8], $0x80, $0x38;
	[tilespmem:$0x1D000] =	vst v63  }
0x1d1: {  	s12 =	sadd.s32 $0x1B0A8, s6;
	s13 =	sadd.s32 $0x50, s11  }
0x1d2: {  	[hbm4b:s13+s3] =	stream.linear.scatter [tilespmem:s12], [sflag:$0x8], $0x80, $0x38;
	[tilespmem:$0x1D000] =	vst v63  }
0x1d3: {  	s18 =	sadd.s32 $0x1B130, s6;
	s20 =	sadd.s32 $0x60, s11  }
0x1d4: {  	[hbm4b:s20+s3] =	stream.linear.scatter [tilespmem:s18], [sflag:$0x8], $0x80, $0x38;
	[tilespmem:$0x1D000] =	vst v63  }
0x1d5: {  	s13 =	sadd.s32 $0x1B1B8, s6;
	s18 =	sadd.s32 $0x70, s11  }
0x1d6: {  	[hbm4b:s18+s3] =	stream.linear.scatter [tilespmem:s13], [sflag:$0x8], $0x80, $0x38;
	[tilespmem:$0x1D000] =	vst v63  }
0x1d7: {  	s20 =	sadd.s32 $0x6780, s10  }
0x1d8: {  	[tilespmem:s24], [sflag:$0x4] =	stream.indirect.gather [hbm4b:s4+s16], $0x40, s20, s16, $0xb8;
	[tilespmem:$0x1D000] =	vst v63  }
0x1d9: {  	_ =	swait.ge [sflag:s17], $0x2000  }
0x1da: {  	[sflag:s17] =	ssyncset.done $0x0  }
0x1db: {  	[sflag:s17] =	ssyncadd.s32 $0xFFFFE000  }
0x1dc: {  	_ =	swait.ge [sflag:s19], $0x2000  }
0x1dd: {  	[sflag:s19] =	ssyncset.done $0x0  }
0x1de: {  	s15 =	sadd.s32 $0x1, s15;
	[sflag:s19] =	ssyncadd.s32 $0xFFFFE000  }
0x1df: {  	p0 =	sne.s32 s15, $0x31;
	_ =	swait.ge [sflag:s21], $0x2000  }
.Ltmp9:
0x1e0: {  	[sflag:s21] =	ssyncset.done $0x0;
	(pc) =	sbr.rel @p0 .LBB2_4-.Ltmp9, $4  }
0x1e1: {  	[sflag:s21] =	ssyncadd.s32 $0xFFFFE000  }
0x1e2: {  	_ =	swait.ge [sflag:s23], $0x2000  }
0x1e3: {  	[sflag:s23] =	ssyncset.done $0x0  }
0x1e4: {  	[sflag:s23] =	ssyncadd.s32 $0xFFFFE000  }
0x1e5: {  	_ =	swait.ge [sflag:s25], $0x2000  }
0x1e6: {  	[sflag:s25] =	ssyncset.done $0x0  }
0x1e7: {  	s2 =	simm.s32 $0x0;
	s6 =	simm.s32 $0xC820;
	[sflag:s25] =	ssyncadd.s32 $0xFFFFE000  }
0x1e8: {  	v12 =	vmov s2;
	v13 =	vld [tilespmem:s6+$0xFFFFFFE0]  }
0x1e9: {  	v12 =	vand.u32 $0x7F, v12  }
0x1ea: {  	v14 =	vadd.s32 v5, v12;
	_ =	sdelay $0x2  }
0x1eb: {  	v13 =	vmul.f32 $8.000000000e+00, v13;
	_ =	sdelay $0x1  }
0x1ec: {  	[tilespmem:v14+s26+$0x0] =	vst.idx.msk $0xffff, v13  }
0x1ed: {  	v13 =	vld [tilespmem:s6+$0xFFFFFFF0];
	_ =	sdelay $0x1  }
0x1ee: {  	v14 =	vadd.s32 v9, v12;
	_ =	sdelay $0x2  }
0x1ef: {  	v13 =	vmul.f32 $8.000000000e+00, v13;
	_ =	sdelay $0x1  }
0x1f0: {  	[tilespmem:v14+s26+$0x0] =	vst.idx.msk $0xffff, v13  }
0x1f1: {  	v13 =	vld [tilespmem:s6+$0x0];
	_ =	sdelay $0x1  }
0x1f2: {  	v14 =	vadd.s32 v10, v12;
	_ =	sdelay $0x2  }
0x1f3: {  	v13 =	vmul.f32 $8.000000000e+00, v13;
	_ =	sdelay $0x1  }
0x1f4: {  	[tilespmem:v14+s26+$0x0] =	vst.idx.msk $0xffff, v13  }
0x1f5: {  	v13 =	vld [tilespmem:s6+$0x10];
	_ =	sdelay $0x1  }
0x1f6: {  	v12 =	vadd.s32 v11, v12;
	_ =	sdelay $0x2  }
0x1f7: {  	s10 =	simm.s32 $0x1;
	v13 =	vmul.f32 $8.000000000e+00, v13  }
.LBB2_22:
0x1f8: {  	p0 =	sne.s32 s10, $0x7F  }
0x1f9: {  	s6 =	sadd.s32 $0x40, s6;
	s2 =	smov.u32 s10;
	s10 =	sadd.s32 $0x1, s10;
	[tilespmem:v12+s26+$0x0] =	vst.idx.msk $0xffff, v13  }
0x1fa: {  	v12 =	vmov s2;
	v13 =	vld [tilespmem:s6+$0xFFFFFFE0]  }
0x1fb: {  	v12 =	vand.u32 $0x7F, v12  }
0x1fc: {  	v14 =	vadd.s32 v5, v12;
	_ =	sdelay $0x2  }
0x1fd: {  	v13 =	vmul.f32 $8.000000000e+00, v13;
	_ =	sdelay $0x1  }
0x1fe: {  	[tilespmem:v14+s26+$0x0] =	vst.idx.msk $0xffff, v13  }
0x1ff: {  	v13 =	vld [tilespmem:s6+$0xFFFFFFF0];
	_ =	sdelay $0x1  }
0x200: {  	v14 =	vadd.s32 v9, v12;
	_ =	sdelay $0x2  }
0x201: {  	v13 =	vmul.f32 $8.000000000e+00, v13;
	_ =	sdelay $0x1  }
0x202: {  	[tilespmem:v14+s26+$0x0] =	vst.idx.msk $0xffff, v13  }
0x203: {  	v13 =	vld [tilespmem:s6+$0x0];
	_ =	sdelay $0x1  }
0x204: {  	v14 =	vadd.s32 v10, v12;
	_ =	sdelay $0x2  }
0x205: {  	v13 =	vmul.f32 $8.000000000e+00, v13;
	_ =	sdelay $0x1  }
0x206: {  	[tilespmem:v14+s26+$0x0] =	vst.idx.msk $0xffff, v13  }
0x207: {  	v13 =	vld [tilespmem:s6+$0x10]  }
.Ltmp10:
0x208: {  	(pc) =	sbr.rel @p0 .LBB2_22-.Ltmp10, $2  }
0x209: {  	v12 =	vadd.s32 v11, v12;
	_ =	sdelay $0x2  }
0x20a: {  	v13 =	vmul.f32 $8.000000000e+00, v13  }
0x20b: {  	_ =	sdelay $0x3  }
0x20c: {  	s2 =	simm.s32 $0x14800;
	s10 =	rddreg [dreg:$0x4];
	[tilespmem:v12+s26+$0x0] =	vst.idx.msk $0xffff, v13  }
0x20d: {  	[hbm4b:s10+s3] =	stream.linear.scatter [tilespmem:s2], [sflag:$0x5], $0x80, $0x38;
	[tilespmem:$0x1D000] =	vst v63  }
0x20e: {  	s12 =	simm.s32 $0x14888;
	s6 =	sadd.s32 $0x10, s10  }
0x20f: {  	[hbm4b:s6+s3] =	stream.linear.scatter [tilespmem:s12], [sflag:$0x5], $0x80, $0x38;
	[tilespmem:$0x1D000] =	vst v63  }
0x210: {  	s13 =	simm.s32 $0x14910;
	s18 =	simm.s32 $0x14998;
	s15 =	sadd.s32 $0x20, s10  }
0x211: {  	[hbm4b:s15+s3] =	stream.linear.scatter [tilespmem:s13], [sflag:$0x5], $0x80, $0x38;
	[tilespmem:$0x1D000] =	vst v63  }
0x212: {  	s11 =	simm.s32 $0x14A20;
	s20 =	sadd.s32 $0x30, s10;
	s2 =	simm.s32 $0x14BB8  }
0x213: {  	[hbm4b:s20+s3] =	stream.linear.scatter [tilespmem:s18], [sflag:$0x5], $0x80, $0x38;
	[tilespmem:$0x1D000] =	vst v63  }
0x214: {  	s12 =	sadd.s32 $0x40, s10;
	s6 =	simm.s32 $0x440;
	s13 =	simm.s32 $0x14AA8  }
0x215: {  	[hbm4b:s12+s3] =	stream.linear.scatter [tilespmem:s11], [sflag:$0x5], $0x80, $0x38;
	[tilespmem:$0x1D000] =	vst v63  }
0x216: {  	s15 =	sadd.s32 $0x50, s10;
	s18 =	simm.s32 $0x14B30;
	s20 =	sadd.s32 $0x60, s10  }
0x217: {  	[hbm4b:s15+s3] =	stream.linear.scatter [tilespmem:s13], [sflag:$0x5], $0x80, $0x38;
	[tilespmem:$0x1D000] =	vst v63  }
0x218: {  	s11 =	simm.s32 $0x2200;
	s12 =	sadd.s32 $0x70, s10;
	s10 =	sadd.s32 $0x1000, s10  }
0x219: {  	[hbm4b:s20+s3] =	stream.linear.scatter [tilespmem:s18], [sflag:$0x5], $0x80, $0x38;
	[tilespmem:$0x1D000] =	vst v63  }
.LBB2_24:
0x21a: {  	[hbm4b:s12+s3] =	stream.linear.scatter [tilespmem:s2], [sflag:$0x5], $0x80, $0x38;
	[tilespmem:$0x1D000] =	vst v63  }
0x21b: {  	s2 =	smov.u32 s6;
	s6 =	smov.u32 s11  }
0x21c: {  	s13 =	sadd.s32 $0x1100, s11;
	s6 =	sshra.s32 s6, $0x2;
	s12 =	sadd.s32 $0x14800, s2  }
0x21d: {  	[hbm4b:s10+s3] =	stream.linear.scatter [tilespmem:s12], [sflag:$0x5], $0x80, $0x38;
	[tilespmem:$0x1D000] =	vst v63  }
0x21e: {  	p0 =	sne.s32 s11, $0x7700;
	s11 =	sadd.s32 $0x14888, s2;
	s12 =	sadd.s32 $0x10, s10  }
0x21f: {  	[hbm4b:s12+s3] =	stream.linear.scatter [tilespmem:s11], [sflag:$0x5], $0x80, $0x38;
	[tilespmem:$0x1D000] =	vst v63  }
0x220: {  	s11 =	sadd.s32 $0x14910, s2;
	s12 =	sadd.s32 $0x20, s10  }
0x221: {  	[hbm4b:s12+s3] =	stream.linear.scatter [tilespmem:s11], [sflag:$0x5], $0x80, $0x38;
	[tilespmem:$0x1D000] =	vst v63  }
0x222: {  	s11 =	sadd.s32 $0x14998, s2;
	s12 =	sadd.s32 $0x30, s10  }
0x223: {  	[hbm4b:s12+s3] =	stream.linear.scatter [tilespmem:s11], [sflag:$0x5], $0x80, $0x38;
	[tilespmem:$0x1D000] =	vst v63  }
0x224: {  	s11 =	sadd.s32 $0x14A20, s2;
	s12 =	sadd.s32 $0x40, s10  }
0x225: {  	[hbm4b:s12+s3] =	stream.linear.scatter [tilespmem:s11], [sflag:$0x5], $0x80, $0x38;
	[tilespmem:$0x1D000] =	vst v63  }
.Ltmp11:
0x226: {  	s11 =	sadd.s32 $0x14AA8, s2;
	s12 =	sadd.s32 $0x50, s10;
	(pc) =	sbr.rel @p0 .LBB2_24-.Ltmp11, $4  }
0x227: {  	[hbm4b:s12+s3] =	stream.linear.scatter [tilespmem:s11], [sflag:$0x5], $0x80, $0x38;
	[tilespmem:$0x1D000] =	vst v63  }
0x228: {  	s11 =	sadd.s32 $0x14B30, s2;
	s12 =	sadd.s32 $0x60, s10;
	s2 =	sadd.s32 $0x14BB8, s2  }
0x229: {  	[hbm4b:s12+s3] =	stream.linear.scatter [tilespmem:s11], [sflag:$0x5], $0x80, $0x38;
	[tilespmem:$0x1D000] =	vst v63  }
0x22a: {  	s12 =	sadd.s32 $0x70, s10;
	s10 =	sadd.s32 $0x1000, s10;
	s11 =	smov.u32 s13  }
0x22b: {  	[hbm4b:s12+s3] =	stream.linear.scatter [tilespmem:s2], [sflag:$0x5], $0x80, $0x38;
	[tilespmem:$0x1D000] =	vst v63  }
0x22c: {  	s13 =	sadd.s32 $0x14800, s6  }
0x22d: {  	[hbm4b:s10+s3] =	stream.linear.scatter [tilespmem:s13], [sflag:$0x5], $0x80, $0x38;
	[tilespmem:$0x1D000] =	vst v63  }
0x22e: {  	s15 =	sadd.s32 $0x14888, s6;
	s11 =	sadd.s32 $0x10, s10  }
0x22f: {  	[hbm4b:s11+s3] =	stream.linear.scatter [tilespmem:s15], [sflag:$0x5], $0x80, $0x38;
	[tilespmem:$0x1D000] =	vst v63  }
0x230: {  	s18 =	sadd.s32 $0x14910, s6;
	s20 =	sadd.s32 $0x20, s10  }
0x231: {  	[hbm4b:s20+s3] =	stream.linear.scatter [tilespmem:s18], [sflag:$0x5], $0x80, $0x38;
	[tilespmem:$0x1D000] =	vst v63  }
0x232: {  	s12 =	sadd.s32 $0x30, s10;
	s11 =	sadd.s32 $0x14998, s6  }
0x233: {  	[hbm4b:s12+s3] =	stream.linear.scatter [tilespmem:s11], [sflag:$0x5], $0x80, $0x38;
	[tilespmem:$0x1D000] =	vst v63  }
0x234: {  	s13 =	sadd.s32 $0x14A20, s6;
	s15 =	sadd.s32 $0x40, s10  }
0x235: {  	[hbm4b:s15+s3] =	stream.linear.scatter [tilespmem:s13], [sflag:$0x5], $0x80, $0x38;
	[tilespmem:$0x1D000] =	vst v63  }
0x236: {  	s18 =	sadd.s32 $0x14AA8, s6;
	s20 =	sadd.s32 $0x50, s10  }
0x237: {  	[hbm4b:s20+s3] =	stream.linear.scatter [tilespmem:s18], [sflag:$0x5], $0x80, $0x38;
	[tilespmem:$0x1D000] =	vst v63  }
0x238: {  	s12 =	sadd.s32 $0x14B30, s6;
	s13 =	sadd.s32 $0x60, s10  }
0x239: {  	[hbm4b:s13+s3] =	stream.linear.scatter [tilespmem:s12], [sflag:$0x5], $0x80, $0x38;
	[tilespmem:$0x1D000] =	vst v63  }
0x23a: {  	s15 =	sadd.s32 $0x14BB8, s6;
	s18 =	sadd.s32 $0x70, s10  }
0x23b: {  	[hbm4b:s18+s3] =	stream.linear.scatter [tilespmem:s15], [sflag:$0x5], $0x80, $0x38;
	[tilespmem:$0x1D000] =	vst v63  }
0x23c: {  	_ =	swait.ge [sflag:s28], $0x2000  }
0x23d: {  	[sflag:s28] =	ssyncset.done $0x0  }
0x23e: {  	s6 =	simm.s32 $0xE820;
	s20 =	simm.s32 $0x0;
	[sflag:s28] =	ssyncadd.s32 $0xFFFFE000  }
0x23f: {  	v12 =	vmov s20;
	v13 =	vld [tilespmem:s6+$0xFFFFFFE0]  }
0x240: {  	v12 =	vand.u32 $0x7F, v12  }
0x241: {  	v14 =	vadd.s32 v5, v12;
	_ =	sdelay $0x2  }
0x242: {  	v13 =	vmul.f32 $8.000000000e+00, v13;
	_ =	sdelay $0x1  }
0x243: {  	[tilespmem:v14+s29+$0x0] =	vst.idx.msk $0xffff, v13  }
0x244: {  	v13 =	vld [tilespmem:s6+$0xFFFFFFF0];
	_ =	sdelay $0x1  }
0x245: {  	v14 =	vadd.s32 v9, v12;
	_ =	sdelay $0x2  }
0x246: {  	v13 =	vmul.f32 $8.000000000e+00, v13;
	_ =	sdelay $0x1  }
0x247: {  	[tilespmem:v14+s29+$0x0] =	vst.idx.msk $0xffff, v13  }
0x248: {  	v13 =	vld [tilespmem:s6+$0x0];
	_ =	sdelay $0x1  }
0x249: {  	v14 =	vadd.s32 v10, v12;
	_ =	sdelay $0x2  }
0x24a: {  	v13 =	vmul.f32 $8.000000000e+00, v13;
	_ =	sdelay $0x1  }
0x24b: {  	[tilespmem:v14+s29+$0x0] =	vst.idx.msk $0xffff, v13  }
0x24c: {  	v13 =	vld [tilespmem:s6+$0x10];
	_ =	sdelay $0x1  }
0x24d: {  	v12 =	vadd.s32 v11, v12;
	_ =	sdelay $0x2  }
0x24e: {  	s10 =	simm.s32 $0x1;
	v13 =	vmul.f32 $8.000000000e+00, v13  }
.LBB2_26:
0x24f: {  	p0 =	sne.s32 s10, $0x7F  }
0x250: {  	s6 =	sadd.s32 $0x40, s6;
	s2 =	smov.u32 s10;
	s10 =	sadd.s32 $0x1, s10;
	[tilespmem:v12+s29+$0x0] =	vst.idx.msk $0xffff, v13  }
0x251: {  	v12 =	vmov s2;
	v13 =	vld [tilespmem:s6+$0xFFFFFFE0]  }
0x252: {  	v12 =	vand.u32 $0x7F, v12  }
0x253: {  	v14 =	vadd.s32 v5, v12;
	_ =	sdelay $0x2  }
0x254: {  	v13 =	vmul.f32 $8.000000000e+00, v13;
	_ =	sdelay $0x1  }
0x255: {  	[tilespmem:v14+s29+$0x0] =	vst.idx.msk $0xffff, v13  }
0x256: {  	v13 =	vld [tilespmem:s6+$0xFFFFFFF0];
	_ =	sdelay $0x1  }
0x257: {  	v14 =	vadd.s32 v9, v12;
	_ =	sdelay $0x2  }
0x258: {  	v13 =	vmul.f32 $8.000000000e+00, v13;
	_ =	sdelay $0x1  }
0x259: {  	[tilespmem:v14+s29+$0x0] =	vst.idx.msk $0xffff, v13  }
0x25a: {  	v13 =	vld [tilespmem:s6+$0x0];
	_ =	sdelay $0x1  }
0x25b: {  	v14 =	vadd.s32 v10, v12;
	_ =	sdelay $0x2  }
0x25c: {  	v13 =	vmul.f32 $8.000000000e+00, v13;
	_ =	sdelay $0x1  }
0x25d: {  	[tilespmem:v14+s29+$0x0] =	vst.idx.msk $0xffff, v13  }
0x25e: {  	v13 =	vld [tilespmem:s6+$0x10]  }
.Ltmp12:
0x25f: {  	(pc) =	sbr.rel @p0 .LBB2_26-.Ltmp12, $2  }
0x260: {  	v12 =	vadd.s32 v11, v12;
	_ =	sdelay $0x2  }
0x261: {  	v13 =	vmul.f32 $8.000000000e+00, v13  }
0x262: {  	_ =	sdelay $0x3  }
0x263: {  	s2 =	simm.s32 $0x16A00;
	s10 =	rddreg [dreg:$0x5];
	[tilespmem:v12+s29+$0x0] =	vst.idx.msk $0xffff, v13  }
0x264: {  	[hbm4b:s10+s3] =	stream.linear.scatter [tilespmem:s2], [sflag:$0x6], $0x80, $0x38;
	[tilespmem:$0x1D000] =	vst v63  }
0x265: {  	s12 =	simm.s32 $0x16A88;
	s6 =	sadd.s32 $0x10, s10  }
0x266: {  	[hbm4b:s6+s3] =	stream.linear.scatter [tilespmem:s12], [sflag:$0x6], $0x80, $0x38;
	[tilespmem:$0x1D000] =	vst v63  }
0x267: {  	s13 =	simm.s32 $0x16B10;
	s18 =	simm.s32 $0x16B98;
	s15 =	sadd.s32 $0x20, s10  }
0x268: {  	[hbm4b:s15+s3] =	stream.linear.scatter [tilespmem:s13], [sflag:$0x6], $0x80, $0x38;
	[tilespmem:$0x1D000] =	vst v63  }
0x269: {  	s11 =	simm.s32 $0x16C20;
	s20 =	sadd.s32 $0x30, s10;
	s2 =	simm.s32 $0x16DB8  }
0x26a: {  	[hbm4b:s20+s3] =	stream.linear.scatter [tilespmem:s18], [sflag:$0x6], $0x80, $0x38;
	[tilespmem:$0x1D000] =	vst v63  }
0x26b: {  	s12 =	sadd.s32 $0x40, s10;
	s6 =	simm.s32 $0x440;
	s13 =	simm.s32 $0x16CA8  }
0x26c: {  	[hbm4b:s12+s3] =	stream.linear.scatter [tilespmem:s11], [sflag:$0x6], $0x80, $0x38;
	[tilespmem:$0x1D000] =	vst v63  }
0x26d: {  	s15 =	sadd.s32 $0x50, s10;
	s18 =	simm.s32 $0x16D30;
	s20 =	sadd.s32 $0x60, s10  }
0x26e: {  	[hbm4b:s15+s3] =	stream.linear.scatter [tilespmem:s13], [sflag:$0x6], $0x80, $0x38;
	[tilespmem:$0x1D000] =	vst v63  }
0x26f: {  	s11 =	simm.s32 $0x2200;
	s12 =	sadd.s32 $0x70, s10;
	s10 =	sadd.s32 $0x1000, s10  }
0x270: {  	[hbm4b:s20+s3] =	stream.linear.scatter [tilespmem:s18], [sflag:$0x6], $0x80, $0x38;
	[tilespmem:$0x1D000] =	vst v63  }
.LBB2_28:
0x271: {  	[hbm4b:s12+s3] =	stream.linear.scatter [tilespmem:s2], [sflag:$0x6], $0x80, $0x38;
	[tilespmem:$0x1D000] =	vst v63  }
0x272: {  	s2 =	smov.u32 s6;
	s6 =	smov.u32 s11  }
0x273: {  	s13 =	sadd.s32 $0x1100, s11;
	s6 =	sshra.s32 s6, $0x2;
	s12 =	sadd.s32 $0x16A00, s2  }
0x274: {  	[hbm4b:s10+s3] =	stream.linear.scatter [tilespmem:s12], [sflag:$0x6], $0x80, $0x38;
	[tilespmem:$0x1D000] =	vst v63  }
0x275: {  	p0 =	sne.s32 s11, $0x7700;
	s11 =	sadd.s32 $0x16A88, s2;
	s12 =	sadd.s32 $0x10, s10  }
0x276: {  	[hbm4b:s12+s3] =	stream.linear.scatter [tilespmem:s11], [sflag:$0x6], $0x80, $0x38;
	[tilespmem:$0x1D000] =	vst v63  }
0x277: {  	s11 =	sadd.s32 $0x16B10, s2;
	s12 =	sadd.s32 $0x20, s10  }
0x278: {  	[hbm4b:s12+s3] =	stream.linear.scatter [tilespmem:s11], [sflag:$0x6], $0x80, $0x38;
	[tilespmem:$0x1D000] =	vst v63  }
0x279: {  	s11 =	sadd.s32 $0x16B98, s2;
	s12 =	sadd.s32 $0x30, s10  }
0x27a: {  	[hbm4b:s12+s3] =	stream.linear.scatter [tilespmem:s11], [sflag:$0x6], $0x80, $0x38;
	[tilespmem:$0x1D000] =	vst v63  }
0x27b: {  	s11 =	sadd.s32 $0x16C20, s2;
	s12 =	sadd.s32 $0x40, s10  }
0x27c: {  	[hbm4b:s12+s3] =	stream.linear.scatter [tilespmem:s11], [sflag:$0x6], $0x80, $0x38;
	[tilespmem:$0x1D000] =	vst v63  }
.Ltmp13:
0x27d: {  	s11 =	sadd.s32 $0x16CA8, s2;
	s12 =	sadd.s32 $0x50, s10;
	(pc) =	sbr.rel @p0 .LBB2_28-.Ltmp13, $4  }
0x27e: {  	[hbm4b:s12+s3] =	stream.linear.scatter [tilespmem:s11], [sflag:$0x6], $0x80, $0x38;
	[tilespmem:$0x1D000] =	vst v63  }
0x27f: {  	s11 =	sadd.s32 $0x16D30, s2;
	s12 =	sadd.s32 $0x60, s10;
	s2 =	sadd.s32 $0x16DB8, s2  }
0x280: {  	[hbm4b:s12+s3] =	stream.linear.scatter [tilespmem:s11], [sflag:$0x6], $0x80, $0x38;
	[tilespmem:$0x1D000] =	vst v63  }
0x281: {  	s12 =	sadd.s32 $0x70, s10;
	s10 =	sadd.s32 $0x1000, s10;
	s11 =	smov.u32 s13  }
0x282: {  	[hbm4b:s12+s3] =	stream.linear.scatter [tilespmem:s2], [sflag:$0x6], $0x80, $0x38;
	[tilespmem:$0x1D000] =	vst v63  }
0x283: {  	s13 =	sadd.s32 $0x16A00, s6  }
0x284: {  	[hbm4b:s10+s3] =	stream.linear.scatter [tilespmem:s13], [sflag:$0x6], $0x80, $0x38;
	[tilespmem:$0x1D000] =	vst v63  }
0x285: {  	s15 =	sadd.s32 $0x16A88, s6;
	s11 =	sadd.s32 $0x10, s10  }
0x286: {  	[hbm4b:s11+s3] =	stream.linear.scatter [tilespmem:s15], [sflag:$0x6], $0x80, $0x38;
	[tilespmem:$0x1D000] =	vst v63  }
0x287: {  	s18 =	sadd.s32 $0x16B10, s6;
	s20 =	sadd.s32 $0x20, s10  }
0x288: {  	[hbm4b:s20+s3] =	stream.linear.scatter [tilespmem:s18], [sflag:$0x6], $0x80, $0x38;
	[tilespmem:$0x1D000] =	vst v63  }
0x289: {  	s12 =	sadd.s32 $0x30, s10;
	s11 =	sadd.s32 $0x16B98, s6  }
0x28a: {  	[hbm4b:s12+s3] =	stream.linear.scatter [tilespmem:s11], [sflag:$0x6], $0x80, $0x38;
	[tilespmem:$0x1D000] =	vst v63  }
0x28b: {  	s13 =	sadd.s32 $0x16C20, s6;
	s15 =	sadd.s32 $0x40, s10  }
0x28c: {  	[hbm4b:s15+s3] =	stream.linear.scatter [tilespmem:s13], [sflag:$0x6], $0x80, $0x38;
	[tilespmem:$0x1D000] =	vst v63  }
0x28d: {  	s18 =	sadd.s32 $0x16CA8, s6;
	s20 =	sadd.s32 $0x50, s10  }
0x28e: {  	[hbm4b:s20+s3] =	stream.linear.scatter [tilespmem:s18], [sflag:$0x6], $0x80, $0x38;
	[tilespmem:$0x1D000] =	vst v63  }
0x28f: {  	s12 =	sadd.s32 $0x16D30, s6;
	s13 =	sadd.s32 $0x60, s10  }
0x290: {  	[hbm4b:s13+s3] =	stream.linear.scatter [tilespmem:s12], [sflag:$0x6], $0x80, $0x38;
	[tilespmem:$0x1D000] =	vst v63  }
0x291: {  	s15 =	sadd.s32 $0x16DB8, s6;
	s18 =	sadd.s32 $0x70, s10  }
0x292: {  	[hbm4b:s18+s3] =	stream.linear.scatter [tilespmem:s15], [sflag:$0x6], $0x80, $0x38;
	[tilespmem:$0x1D000] =	vst v63  }
0x293: {  	_ =	swait.ge [sflag:s30], $0x2000  }
0x294: {  	[sflag:s30] =	ssyncset.done $0x0  }
0x295: {  	s6 =	simm.s32 $0x10820;
	s20 =	simm.s32 $0x0;
	[sflag:s30] =	ssyncadd.s32 $0xFFFFE000  }
0x296: {  	v12 =	vmov s20;
	v13 =	vld [tilespmem:s6+$0xFFFFFFE0]  }
0x297: {  	v12 =	vand.u32 $0x7F, v12  }
0x298: {  	v14 =	vadd.s32 v5, v12;
	_ =	sdelay $0x2  }
0x299: {  	v13 =	vmul.f32 $8.000000000e+00, v13;
	_ =	sdelay $0x1  }
0x29a: {  	[tilespmem:v14+s31+$0x0] =	vst.idx.msk $0xffff, v13  }
0x29b: {  	v13 =	vld [tilespmem:s6+$0xFFFFFFF0];
	_ =	sdelay $0x1  }
0x29c: {  	v14 =	vadd.s32 v9, v12;
	_ =	sdelay $0x2  }
0x29d: {  	v13 =	vmul.f32 $8.000000000e+00, v13;
	_ =	sdelay $0x1  }
0x29e: {  	[tilespmem:v14+s31+$0x0] =	vst.idx.msk $0xffff, v13  }
0x29f: {  	v13 =	vld [tilespmem:s6+$0x0];
	_ =	sdelay $0x1  }
0x2a0: {  	v14 =	vadd.s32 v10, v12;
	_ =	sdelay $0x2  }
0x2a1: {  	v13 =	vmul.f32 $8.000000000e+00, v13;
	_ =	sdelay $0x1  }
0x2a2: {  	[tilespmem:v14+s31+$0x0] =	vst.idx.msk $0xffff, v13  }
0x2a3: {  	v13 =	vld [tilespmem:s6+$0x10];
	_ =	sdelay $0x1  }
0x2a4: {  	v12 =	vadd.s32 v11, v12;
	_ =	sdelay $0x2  }
0x2a5: {  	s10 =	simm.s32 $0x1;
	v13 =	vmul.f32 $8.000000000e+00, v13  }
.LBB2_30:
0x2a6: {  	p0 =	sne.s32 s10, $0x7F  }
0x2a7: {  	s6 =	sadd.s32 $0x40, s6;
	s2 =	smov.u32 s10;
	s10 =	sadd.s32 $0x1, s10;
	[tilespmem:v12+s31+$0x0] =	vst.idx.msk $0xffff, v13  }
0x2a8: {  	v12 =	vmov s2;
	v13 =	vld [tilespmem:s6+$0xFFFFFFE0]  }
0x2a9: {  	v12 =	vand.u32 $0x7F, v12  }
0x2aa: {  	v14 =	vadd.s32 v5, v12;
	_ =	sdelay $0x2  }
0x2ab: {  	v13 =	vmul.f32 $8.000000000e+00, v13;
	_ =	sdelay $0x1  }
0x2ac: {  	[tilespmem:v14+s31+$0x0] =	vst.idx.msk $0xffff, v13  }
0x2ad: {  	v13 =	vld [tilespmem:s6+$0xFFFFFFF0];
	_ =	sdelay $0x1  }
0x2ae: {  	v14 =	vadd.s32 v9, v12;
	_ =	sdelay $0x2  }
0x2af: {  	v13 =	vmul.f32 $8.000000000e+00, v13;
	_ =	sdelay $0x1  }
0x2b0: {  	[tilespmem:v14+s31+$0x0] =	vst.idx.msk $0xffff, v13  }
0x2b1: {  	v13 =	vld [tilespmem:s6+$0x0];
	_ =	sdelay $0x1  }
0x2b2: {  	v14 =	vadd.s32 v10, v12;
	_ =	sdelay $0x2  }
0x2b3: {  	v13 =	vmul.f32 $8.000000000e+00, v13;
	_ =	sdelay $0x1  }
0x2b4: {  	[tilespmem:v14+s31+$0x0] =	vst.idx.msk $0xffff, v13  }
0x2b5: {  	v13 =	vld [tilespmem:s6+$0x10]  }
.Ltmp14:
0x2b6: {  	(pc) =	sbr.rel @p0 .LBB2_30-.Ltmp14, $2  }
0x2b7: {  	v12 =	vadd.s32 v11, v12;
	_ =	sdelay $0x2  }
0x2b8: {  	v13 =	vmul.f32 $8.000000000e+00, v13  }
0x2b9: {  	_ =	sdelay $0x3  }
0x2ba: {  	s2 =	simm.s32 $0x18C00;
	s10 =	rddreg [dreg:$0x6];
	[tilespmem:v12+s31+$0x0] =	vst.idx.msk $0xffff, v13  }
0x2bb: {  	[hbm4b:s10+s3] =	stream.linear.scatter [tilespmem:s2], [sflag:$0x7], $0x80, $0x38;
	[tilespmem:$0x1D000] =	vst v63  }
0x2bc: {  	s12 =	simm.s32 $0x18C88;
	s6 =	sadd.s32 $0x10, s10  }
0x2bd: {  	[hbm4b:s6+s3] =	stream.linear.scatter [tilespmem:s12], [sflag:$0x7], $0x80, $0x38;
	[tilespmem:$0x1D000] =	vst v63  }
0x2be: {  	s13 =	simm.s32 $0x18D10;
	s18 =	simm.s32 $0x18D98;
	s15 =	sadd.s32 $0x20, s10  }
0x2bf: {  	[hbm4b:s15+s3] =	stream.linear.scatter [tilespmem:s13], [sflag:$0x7], $0x80, $0x38;
	[tilespmem:$0x1D000] =	vst v63  }
0x2c0: {  	s11 =	simm.s32 $0x18E20;
	s20 =	sadd.s32 $0x30, s10;
	s2 =	simm.s32 $0x18FB8  }
0x2c1: {  	[hbm4b:s20+s3] =	stream.linear.scatter [tilespmem:s18], [sflag:$0x7], $0x80, $0x38;
	[tilespmem:$0x1D000] =	vst v63  }
0x2c2: {  	s12 =	sadd.s32 $0x40, s10;
	s6 =	simm.s32 $0x440;
	s13 =	simm.s32 $0x18EA8  }
0x2c3: {  	[hbm4b:s12+s3] =	stream.linear.scatter [tilespmem:s11], [sflag:$0x7], $0x80, $0x38;
	[tilespmem:$0x1D000] =	vst v63  }
0x2c4: {  	s15 =	sadd.s32 $0x50, s10;
	s18 =	simm.s32 $0x18F30;
	s20 =	sadd.s32 $0x60, s10  }
0x2c5: {  	[hbm4b:s15+s3] =	stream.linear.scatter [tilespmem:s13], [sflag:$0x7], $0x80, $0x38;
	[tilespmem:$0x1D000] =	vst v63  }
0x2c6: {  	s11 =	simm.s32 $0x2200;
	s12 =	sadd.s32 $0x70, s10;
	s10 =	sadd.s32 $0x1000, s10  }
0x2c7: {  	[hbm4b:s20+s3] =	stream.linear.scatter [tilespmem:s18], [sflag:$0x7], $0x80, $0x38;
	[tilespmem:$0x1D000] =	vst v63  }
.LBB2_32:
0x2c8: {  	[hbm4b:s12+s3] =	stream.linear.scatter [tilespmem:s2], [sflag:$0x7], $0x80, $0x38;
	[tilespmem:$0x1D000] =	vst v63  }
0x2c9: {  	s2 =	smov.u32 s6;
	s6 =	smov.u32 s11  }
0x2ca: {  	s13 =	sadd.s32 $0x1100, s11;
	s6 =	sshra.s32 s6, $0x2;
	s12 =	sadd.s32 $0x18C00, s2  }
0x2cb: {  	[hbm4b:s10+s3] =	stream.linear.scatter [tilespmem:s12], [sflag:$0x7], $0x80, $0x38;
	[tilespmem:$0x1D000] =	vst v63  }
0x2cc: {  	p0 =	sne.s32 s11, $0x7700;
	s11 =	sadd.s32 $0x18C88, s2;
	s12 =	sadd.s32 $0x10, s10  }
0x2cd: {  	[hbm4b:s12+s3] =	stream.linear.scatter [tilespmem:s11], [sflag:$0x7], $0x80, $0x38;
	[tilespmem:$0x1D000] =	vst v63  }
0x2ce: {  	s11 =	sadd.s32 $0x18D10, s2;
	s12 =	sadd.s32 $0x20, s10  }
0x2cf: {  	[hbm4b:s12+s3] =	stream.linear.scatter [tilespmem:s11], [sflag:$0x7], $0x80, $0x38;
	[tilespmem:$0x1D000] =	vst v63  }
0x2d0: {  	s11 =	sadd.s32 $0x18D98, s2;
	s12 =	sadd.s32 $0x30, s10  }
0x2d1: {  	[hbm4b:s12+s3] =	stream.linear.scatter [tilespmem:s11], [sflag:$0x7], $0x80, $0x38;
	[tilespmem:$0x1D000] =	vst v63  }
0x2d2: {  	s11 =	sadd.s32 $0x18E20, s2;
	s12 =	sadd.s32 $0x40, s10  }
0x2d3: {  	[hbm4b:s12+s3] =	stream.linear.scatter [tilespmem:s11], [sflag:$0x7], $0x80, $0x38;
	[tilespmem:$0x1D000] =	vst v63  }
.Ltmp15:
0x2d4: {  	s11 =	sadd.s32 $0x18EA8, s2;
	s12 =	sadd.s32 $0x50, s10;
	(pc) =	sbr.rel @p0 .LBB2_32-.Ltmp15, $4  }
0x2d5: {  	[hbm4b:s12+s3] =	stream.linear.scatter [tilespmem:s11], [sflag:$0x7], $0x80, $0x38;
	[tilespmem:$0x1D000] =	vst v63  }
0x2d6: {  	s11 =	sadd.s32 $0x18F30, s2;
	s12 =	sadd.s32 $0x60, s10;
	s2 =	sadd.s32 $0x18FB8, s2  }
0x2d7: {  	[hbm4b:s12+s3] =	stream.linear.scatter [tilespmem:s11], [sflag:$0x7], $0x80, $0x38;
	[tilespmem:$0x1D000] =	vst v63  }
0x2d8: {  	s12 =	sadd.s32 $0x70, s10;
	s10 =	sadd.s32 $0x1000, s10;
	s11 =	smov.u32 s13  }
0x2d9: {  	[hbm4b:s12+s3] =	stream.linear.scatter [tilespmem:s2], [sflag:$0x7], $0x80, $0x38;
	[tilespmem:$0x1D000] =	vst v63  }
0x2da: {  	s13 =	sadd.s32 $0x18C00, s6  }
0x2db: {  	[hbm4b:s10+s3] =	stream.linear.scatter [tilespmem:s13], [sflag:$0x7], $0x80, $0x38;
	[tilespmem:$0x1D000] =	vst v63  }
0x2dc: {  	s15 =	sadd.s32 $0x18C88, s6;
	s11 =	sadd.s32 $0x10, s10  }
0x2dd: {  	[hbm4b:s11+s3] =	stream.linear.scatter [tilespmem:s15], [sflag:$0x7], $0x80, $0x38;
	[tilespmem:$0x1D000] =	vst v63  }
0x2de: {  	s18 =	sadd.s32 $0x18D10, s6;
	s20 =	sadd.s32 $0x20, s10  }
0x2df: {  	[hbm4b:s20+s3] =	stream.linear.scatter [tilespmem:s18], [sflag:$0x7], $0x80, $0x38;
	[tilespmem:$0x1D000] =	vst v63  }
0x2e0: {  	s12 =	sadd.s32 $0x30, s10;
	s11 =	sadd.s32 $0x18D98, s6  }
0x2e1: {  	[hbm4b:s12+s3] =	stream.linear.scatter [tilespmem:s11], [sflag:$0x7], $0x80, $0x38;
	[tilespmem:$0x1D000] =	vst v63  }
0x2e2: {  	s13 =	sadd.s32 $0x18E20, s6;
	s15 =	sadd.s32 $0x40, s10  }
0x2e3: {  	[hbm4b:s15+s3] =	stream.linear.scatter [tilespmem:s13], [sflag:$0x7], $0x80, $0x38;
	[tilespmem:$0x1D000] =	vst v63  }
0x2e4: {  	s18 =	sadd.s32 $0x18EA8, s6;
	s20 =	sadd.s32 $0x50, s10  }
0x2e5: {  	[hbm4b:s20+s3] =	stream.linear.scatter [tilespmem:s18], [sflag:$0x7], $0x80, $0x38;
	[tilespmem:$0x1D000] =	vst v63  }
0x2e6: {  	s12 =	sadd.s32 $0x18F30, s6;
	s13 =	sadd.s32 $0x60, s10  }
0x2e7: {  	[hbm4b:s13+s3] =	stream.linear.scatter [tilespmem:s12], [sflag:$0x7], $0x80, $0x38;
	[tilespmem:$0x1D000] =	vst v63  }
0x2e8: {  	s15 =	sadd.s32 $0x18FB8, s6;
	s18 =	sadd.s32 $0x70, s10  }
0x2e9: {  	[hbm4b:s18+s3] =	stream.linear.scatter [tilespmem:s15], [sflag:$0x7], $0x80, $0x38;
	[tilespmem:$0x1D000] =	vst v63  }
0x2ea: {  	_ =	swait.ge [sflag:s1], $0x2000  }
0x2eb: {  	[sflag:s1] =	ssyncset.done $0x0  }
0x2ec: {  	s6 =	simm.s32 $0x12820;
	s20 =	simm.s32 $0x0;
	[sflag:s1] =	ssyncadd.s32 $0xFFFFE000  }
0x2ed: {  	v12 =	vmov s20;
	v13 =	vld [tilespmem:s6+$0xFFFFFFE0]  }
0x2ee: {  	v12 =	vand.u32 $0x7F, v12  }
0x2ef: {  	v14 =	vadd.s32 v5, v12;
	_ =	sdelay $0x2  }
0x2f0: {  	v13 =	vmul.f32 $8.000000000e+00, v13;
	_ =	sdelay $0x1  }
0x2f1: {  	[tilespmem:v14+s0+$0x0] =	vst.idx.msk $0xffff, v13  }
0x2f2: {  	v13 =	vld [tilespmem:s6+$0xFFFFFFF0];
	_ =	sdelay $0x1  }
0x2f3: {  	v14 =	vadd.s32 v9, v12;
	_ =	sdelay $0x2  }
0x2f4: {  	v13 =	vmul.f32 $8.000000000e+00, v13;
	_ =	sdelay $0x1  }
0x2f5: {  	[tilespmem:v14+s0+$0x0] =	vst.idx.msk $0xffff, v13  }
0x2f6: {  	v13 =	vld [tilespmem:s6+$0x0];
	_ =	sdelay $0x1  }
0x2f7: {  	v14 =	vadd.s32 v10, v12;
	_ =	sdelay $0x2  }
0x2f8: {  	v13 =	vmul.f32 $8.000000000e+00, v13;
	_ =	sdelay $0x1  }
0x2f9: {  	[tilespmem:v14+s0+$0x0] =	vst.idx.msk $0xffff, v13  }
0x2fa: {  	v13 =	vld [tilespmem:s6+$0x10];
	_ =	sdelay $0x1  }
0x2fb: {  	v12 =	vadd.s32 v11, v12;
	_ =	sdelay $0x2  }
0x2fc: {  	s10 =	simm.s32 $0x1;
	v13 =	vmul.f32 $8.000000000e+00, v13  }
.LBB2_34:
0x2fd: {  	p0 =	sne.s32 s10, $0x7F  }
0x2fe: {  	s6 =	sadd.s32 $0x40, s6;
	s2 =	smov.u32 s10;
	s10 =	sadd.s32 $0x1, s10;
	[tilespmem:v12+s0+$0x0] =	vst.idx.msk $0xffff, v13  }
0x2ff: {  	v12 =	vmov s2;
	v13 =	vld [tilespmem:s6+$0xFFFFFFE0]  }
0x300: {  	v12 =	vand.u32 $0x7F, v12  }
0x301: {  	v14 =	vadd.s32 v5, v12;
	_ =	sdelay $0x2  }
0x302: {  	v13 =	vmul.f32 $8.000000000e+00, v13;
	_ =	sdelay $0x1  }
0x303: {  	[tilespmem:v14+s0+$0x0] =	vst.idx.msk $0xffff, v13  }
0x304: {  	v13 =	vld [tilespmem:s6+$0xFFFFFFF0];
	_ =	sdelay $0x1  }
0x305: {  	v14 =	vadd.s32 v9, v12;
	_ =	sdelay $0x2  }
0x306: {  	v13 =	vmul.f32 $8.000000000e+00, v13;
	_ =	sdelay $0x1  }
0x307: {  	[tilespmem:v14+s0+$0x0] =	vst.idx.msk $0xffff, v13  }
0x308: {  	v13 =	vld [tilespmem:s6+$0x0];
	_ =	sdelay $0x1  }
0x309: {  	v14 =	vadd.s32 v10, v12;
	_ =	sdelay $0x2  }
0x30a: {  	v13 =	vmul.f32 $8.000000000e+00, v13;
	_ =	sdelay $0x1  }
0x30b: {  	[tilespmem:v14+s0+$0x0] =	vst.idx.msk $0xffff, v13  }
0x30c: {  	v13 =	vld [tilespmem:s6+$0x10]  }
.Ltmp16:
0x30d: {  	(pc) =	sbr.rel @p0 .LBB2_34-.Ltmp16, $2  }
0x30e: {  	v12 =	vadd.s32 v11, v12;
	_ =	sdelay $0x2  }
0x30f: {  	v13 =	vmul.f32 $8.000000000e+00, v13  }
0x310: {  	_ =	sdelay $0x3  }
0x311: {  	s2 =	simm.s32 $0x1AE00;
	s10 =	rddreg [dreg:$0x7];
	[tilespmem:v12+s0+$0x0] =	vst.idx.msk $0xffff, v13  }
0x312: {  	[hbm4b:s10+s3] =	stream.linear.scatter [tilespmem:s2], [sflag:$0x8], $0x80, $0x38;
	[tilespmem:$0x1D000] =	vst v63  }
0x313: {  	s12 =	simm.s32 $0x1AE88;
	s6 =	sadd.s32 $0x10, s10  }
0x314: {  	[hbm4b:s6+s3] =	stream.linear.scatter [tilespmem:s12], [sflag:$0x8], $0x80, $0x38;
	[tilespmem:$0x1D000] =	vst v63  }
0x315: {  	s13 =	simm.s32 $0x1AF10;
	s18 =	simm.s32 $0x1AF98;
	s15 =	sadd.s32 $0x20, s10  }
0x316: {  	[hbm4b:s15+s3] =	stream.linear.scatter [tilespmem:s13], [sflag:$0x8], $0x80, $0x38;
	[tilespmem:$0x1D000] =	vst v63  }
0x317: {  	s11 =	simm.s32 $0x1B020;
	s20 =	sadd.s32 $0x30, s10;
	s2 =	simm.s32 $0x1B1B8  }
0x318: {  	[hbm4b:s20+s3] =	stream.linear.scatter [tilespmem:s18], [sflag:$0x8], $0x80, $0x38;
	[tilespmem:$0x1D000] =	vst v63  }
0x319: {  	s12 =	sadd.s32 $0x40, s10;
	s6 =	simm.s32 $0x440;
	s13 =	simm.s32 $0x1B0A8  }
0x31a: {  	[hbm4b:s12+s3] =	stream.linear.scatter [tilespmem:s11], [sflag:$0x8], $0x80, $0x38;
	[tilespmem:$0x1D000] =	vst v63  }
0x31b: {  	s15 =	sadd.s32 $0x50, s10;
	s18 =	simm.s32 $0x1B130;
	s20 =	sadd.s32 $0x60, s10  }
0x31c: {  	[hbm4b:s15+s3] =	stream.linear.scatter [tilespmem:s13], [sflag:$0x8], $0x80, $0x38;
	[tilespmem:$0x1D000] =	vst v63  }
0x31d: {  	s11 =	simm.s32 $0x2200;
	s12 =	sadd.s32 $0x70, s10;
	s10 =	sadd.s32 $0x1000, s10  }
0x31e: {  	[hbm4b:s20+s3] =	stream.linear.scatter [tilespmem:s18], [sflag:$0x8], $0x80, $0x38;
	[tilespmem:$0x1D000] =	vst v63  }
.LBB2_36:
0x31f: {  	[hbm4b:s12+s3] =	stream.linear.scatter [tilespmem:s2], [sflag:$0x8], $0x80, $0x38;
	[tilespmem:$0x1D000] =	vst v63  }
0x320: {  	s2 =	smov.u32 s6;
	s6 =	smov.u32 s11  }
0x321: {  	s13 =	sadd.s32 $0x1100, s11;
	s6 =	sshra.s32 s6, $0x2;
	s12 =	sadd.s32 $0x1AE00, s2  }
0x322: {  	[hbm4b:s10+s3] =	stream.linear.scatter [tilespmem:s12], [sflag:$0x8], $0x80, $0x38;
	[tilespmem:$0x1D000] =	vst v63  }
0x323: {  	p0 =	sne.s32 s11, $0x7700;
	s11 =	sadd.s32 $0x1AE88, s2;
	s12 =	sadd.s32 $0x10, s10  }
0x324: {  	[hbm4b:s12+s3] =	stream.linear.scatter [tilespmem:s11], [sflag:$0x8], $0x80, $0x38;
	[tilespmem:$0x1D000] =	vst v63  }
0x325: {  	s11 =	sadd.s32 $0x1AF10, s2;
	s12 =	sadd.s32 $0x20, s10  }
0x326: {  	[hbm4b:s12+s3] =	stream.linear.scatter [tilespmem:s11], [sflag:$0x8], $0x80, $0x38;
	[tilespmem:$0x1D000] =	vst v63  }
0x327: {  	s11 =	sadd.s32 $0x1AF98, s2;
	s12 =	sadd.s32 $0x30, s10  }
0x328: {  	[hbm4b:s12+s3] =	stream.linear.scatter [tilespmem:s11], [sflag:$0x8], $0x80, $0x38;
	[tilespmem:$0x1D000] =	vst v63  }
0x329: {  	s11 =	sadd.s32 $0x1B020, s2;
	s12 =	sadd.s32 $0x40, s10  }
0x32a: {  	[hbm4b:s12+s3] =	stream.linear.scatter [tilespmem:s11], [sflag:$0x8], $0x80, $0x38;
	[tilespmem:$0x1D000] =	vst v63  }
.Ltmp17:
0x32b: {  	s11 =	sadd.s32 $0x1B0A8, s2;
	s12 =	sadd.s32 $0x50, s10;
	(pc) =	sbr.rel @p0 .LBB2_36-.Ltmp17, $4  }
0x32c: {  	[hbm4b:s12+s3] =	stream.linear.scatter [tilespmem:s11], [sflag:$0x8], $0x80, $0x38;
	[tilespmem:$0x1D000] =	vst v63  }
0x32d: {  	s11 =	sadd.s32 $0x1B130, s2;
	s12 =	sadd.s32 $0x60, s10;
	s2 =	sadd.s32 $0x1B1B8, s2  }
0x32e: {  	[hbm4b:s12+s3] =	stream.linear.scatter [tilespmem:s11], [sflag:$0x8], $0x80, $0x38;
	[tilespmem:$0x1D000] =	vst v63  }
0x32f: {  	s12 =	sadd.s32 $0x70, s10;
	s10 =	sadd.s32 $0x1000, s10;
	s11 =	smov.u32 s13  }
0x330: {  	[hbm4b:s12+s3] =	stream.linear.scatter [tilespmem:s2], [sflag:$0x8], $0x80, $0x38;
	[tilespmem:$0x1D000] =	vst v63  }
0x331: {  	s13 =	sadd.s32 $0x1AE00, s6  }
0x332: {  	[hbm4b:s10+s3] =	stream.linear.scatter [tilespmem:s13], [sflag:$0x8], $0x80, $0x38;
	[tilespmem:$0x1D000] =	vst v63  }
0x333: {  	s15 =	sadd.s32 $0x1AE88, s6;
	s11 =	sadd.s32 $0x10, s10  }
0x334: {  	[hbm4b:s11+s3] =	stream.linear.scatter [tilespmem:s15], [sflag:$0x8], $0x80, $0x38;
	[tilespmem:$0x1D000] =	vst v63  }
0x335: {  	s18 =	sadd.s32 $0x1AF10, s6;
	s20 =	sadd.s32 $0x20, s10  }
0x336: {  	[hbm4b:s20+s3] =	stream.linear.scatter [tilespmem:s18], [sflag:$0x8], $0x80, $0x38;
	[tilespmem:$0x1D000] =	vst v63  }
0x337: {  	s12 =	sadd.s32 $0x30, s10;
	s11 =	sadd.s32 $0x1AF98, s6  }
0x338: {  	[hbm4b:s12+s3] =	stream.linear.scatter [tilespmem:s11], [sflag:$0x8], $0x80, $0x38;
	[tilespmem:$0x1D000] =	vst v63  }
0x339: {  	s13 =	sadd.s32 $0x1B020, s6;
	s15 =	sadd.s32 $0x40, s10  }
0x33a: {  	[hbm4b:s15+s3] =	stream.linear.scatter [tilespmem:s13], [sflag:$0x8], $0x80, $0x38;
	[tilespmem:$0x1D000] =	vst v63  }
0x33b: {  	s18 =	sadd.s32 $0x1B0A8, s6;
	s20 =	sadd.s32 $0x50, s10  }
0x33c: {  	[hbm4b:s20+s3] =	stream.linear.scatter [tilespmem:s18], [sflag:$0x8], $0x80, $0x38;
	[tilespmem:$0x1D000] =	vst v63  }
0x33d: {  	s11 =	sadd.s32 $0x1B130, s6;
	s12 =	sadd.s32 $0x60, s10  }
0x33e: {  	[hbm4b:s12+s3] =	stream.linear.scatter [tilespmem:s11], [sflag:$0x8], $0x80, $0x38;
	[tilespmem:$0x1D000] =	vst v63  }
0x33f: {  	s13 =	sadd.s32 $0x1B1B8, s6;
	s15 =	sadd.s32 $0x70, s10  }
0x340: {  	[hbm4b:s15+s3] =	stream.linear.scatter [tilespmem:s13], [sflag:$0x8], $0x80, $0x38;
	[tilespmem:$0x1D000] =	vst v63  }
0x341: {  	_ =	swait.ge [sflag:s17], $0x2000  }
0x342: {  	[sflag:s17] =	ssyncset.done $0x0  }
0x343: {  	[sflag:s17] =	ssyncadd.s32 $0xFFFFE000  }
0x344: {  	_ =	swait.ge [sflag:s19], $0x2000  }
0x345: {  	[sflag:s19] =	ssyncset.done $0x0  }
0x346: {  	[sflag:s19] =	ssyncadd.s32 $0xFFFFE000  }
0x347: {  	_ =	swait.ge [sflag:s21], $0x2000  }
0x348: {  	[sflag:s21] =	ssyncset.done $0x0  }
0x349: {  	[sflag:s21] =	ssyncadd.s32 $0xFFFFE000  }
0x34a: {  	_ =	swait.ge [sflag:s23], $0x2000  }
0x34b: {  	s18 =	rddreg [dreg:$0x9]  }
0x34c: {  	s20 =	rddreg [dreg:$0x8];
	s6 =	sadd.s32 $0x1, s18  }
0x34d: {  	p0 =	sne.s32 s6, s20  }
.Ltmp18:
0x34e: {  	_ = 	snop;
	(pc) =	sbr.rel @p0 .LBB2_1-.Ltmp18, $3  }
0x34f: {  	_ =	sdelay $0x1  }
0x350: {  	[sflag:s23] =	ssyncset.done $0x0  }
0x351: {  	[sflag:s23] =	ssyncadd.s32 $0xFFFFE000  }
0x352: {  	_ =	sfence.sel $0x180000  }
0x353: {  	[bflag:$0x0] =	sbarrier.arrive $0xFFFF  }
0x354: {  	_ =	strace $0x90000047  }
0x355: {  	s0 =	stileid.u32;
	[bflag:$0x2] =	sbarrier.arrive $0xFFFF  }
0x356: {  	p0 =	sne.s32 s0, $0x0;
	s0 =	rddreg [dreg:$0x2]  }
0x357: {  	s0 =	sadd.s32 @!p0 $0x100000, s0  }
0x358: {  	[sflag:s0] =	ssyncadd.tile.s32 @!p0 $0x1;
	_ =	shalt  }
.Lfunc_end2:
_tile_overlayer_lowered:
.L_overlay_start_2:
0x359: {  	(tag) =	ssettag $0x2  }
0x35a: {  	s0 =	rddreg [dreg:$0x0];
	s2 =	stileid.u32  }
0x35b: {  	s1 =	rddreg [dreg:$0x1];
	p0 =	sne.s32 s2, $0x0  }
0x35c: {  	s3 =	rddreg [dreg:$0x2];
	[bflag:$0x3] =	sbarrier.arrive $0xFFFF;
	s2 =	simm.s32 @!p0 $0x1C09  }
0x35d: {  	[timem:s3], [sflag:s2] =	dma.local @!p0 [hbm:s0], s1  }
0x35e: {  	s0 =	simm.s32 @!p0 $0x9  }
0x35f: {  	_ =	swait.ge @!p0 [sflag:s0], s1  }
0x360: {  	s1 =	ssub.s32 @!p0 $0x0, s1;
	[sflag:s0] =	ssyncset.done @!p0 $0x0  }
0x361: {  	[sflag:s0] =	ssyncadd.s32 @!p0 s1  }
0x362: {  	[bflag:$0x3] =	sbarrier.arrive $0xFFFF  }
0x363: {  	_ =	shalt  }

</sc_bundles>
